<compile_context>
chip_gen: v7x
topology: tpu7x:2x2x1
jax: 0.10.2.dev20260603
libtpu: 0.0.44.dev20260713+nightly
codegen_flags: <defaults>
</compile_context>

<pallas_src>
import jax
import jax.numpy as jnp
from jax import lax
from jax.experimental import pallas as pl
from jax.experimental.pallas import tpu as pltpu
from jax.experimental.pallas import tpu_sc as plsc

_DIM = 33
_NLUT = _DIM * _DIM * _DIM
_NLUT_PAD = 35944
_L = 16
_NC = 2
_NS = 16
_NW = _NC * _NS
_CHUNK = 1024


def _body(x_hbm, lut_hbm, out_hbm,
          lut_r, lut_g, lut_b, in0, in1, ou0, ou1,
          sem_i0, sem_i1, sem_o0, sem_o1,
          *, plane, per_w, nchunk):
    wid = lax.axis_index("s") * _NC + lax.axis_index("c")
    wpb = plane // per_w
    bidx = wid // wpb
    pstart = (wid % wpb) * per_w

    pltpu.sync_copy(lut_hbm.at[pl.ds(0 * _NLUT_PAD, _NLUT_PAD)], lut_r)
    pltpu.sync_copy(lut_hbm.at[pl.ds(1 * _NLUT_PAD, _NLUT_PAD)], lut_g)
    pltpu.sync_copy(lut_hbm.at[pl.ds(2 * _NLUT_PAD, _NLUT_PAD)], lut_b)

    base_r = (3 * bidx + 0) * plane + pstart
    base_g = (3 * bidx + 1) * plane + pstart
    base_b = (3 * bidx + 2) * plane + pstart
    bases = (base_r, base_g, base_b)
    ngrp = _CHUNK // _L

    def in_copies(ck, buf, sem):
        off = ck * _CHUNK
        return [
            pltpu.make_async_copy(x_hbm.at[pl.ds(b + off, _CHUNK)],
                                  buf.at[pl.ds(c * _CHUNK, _CHUNK)], sem)
            for c, b in enumerate(bases)
        ]

    def out_copies(ck, buf, sem):
        off = ck * _CHUNK
        return [
            pltpu.make_async_copy(buf.at[pl.ds(c * _CHUNK, _CHUNK)],
                                  out_hbm.at[pl.ds(b + off, _CHUNK)], sem)
            for c, b in enumerate(bases)
        ]

    def compute_chunk(ibuf, obuf):
        @plsc.parallel_loop(0, ngrp, unroll=2)
        def grp(i):
            sl = pl.ds(i * _L, _L)
            r = ibuf[pl.ds(0 * _CHUNK + i * _L, _L)]
            g = ibuf[pl.ds(1 * _CHUNK + i * _L, _L)]
            b = ibuf[pl.ds(2 * _CHUNK + i * _L, _L)]
            tr = jnp.minimum(jnp.maximum(r * 32.0, 0.0), 32.0)
            tg = jnp.minimum(jnp.maximum(g * 32.0, 0.0), 32.0)
            tb = jnp.minimum(jnp.maximum(b * 32.0, 0.0), 32.0)
            ir = jnp.minimum(tr.astype(jnp.int32), 31)
            ig = jnp.minimum(tg.astype(jnp.int32), 31)
            ib = jnp.minimum(tb.astype(jnp.int32), 31)
            wr = tr - ir.astype(jnp.float32)
            wg = tg - ig.astype(jnp.float32)
            wb = tb - ib.astype(jnp.float32)

            i000 = ib * (_DIM * _DIM) + ig * _DIM + ir
            i010 = i000 + _DIM
            i100 = i000 + _DIM * _DIM
            i110 = i100 + _DIM

            u0 = 1.0 - wr
            v0 = 1.0 - wg
            s0 = 1.0 - wb
            p00 = v0 * u0
            p01 = v0 * wr
            p10 = wg * u0
            p11 = wg * wr
            w000 = s0 * p00
            w001 = s0 * p01
            w010 = s0 * p10
            w011 = s0 * p11
            w100 = wb * p00
            w101 = wb * p01
            w110 = wb * p10
            w111 = wb * p11

            wp = [plsc.pack(wlo, whi, format=plsc.PackFormat.INTERLEAVED)
                  for wlo, whi in ((w000, w001), (w010, w011),
                                   (w100, w101), (w110, w111))]
            idxs = (i000, i010, i100, i110)
            for c, lut_ref in enumerate((lut_r, lut_g, lut_b)):
                acc = None
                for idx, wpair in zip(idxs, wp):
                    gw = plsc.load_gather(lut_ref, [idx])
                    t = plsc.bitcast(gw, jnp.bfloat16) * wpair
                    acc = t if acc is None else acc + t
                lo, hi = plsc.unpack(acc, format=plsc.PackFormat.INTERLEAVED)
                obuf[pl.ds(c * _CHUNK + i * _L, _L)] = lo + hi

    ibufs = (in0, in1)
    obufs = (ou0, ou1)
    isems = (sem_i0, sem_i1)
    osems = (sem_o0, sem_o1)

    for b in range(2):
        for cp in in_copies(b, ibufs[b], isems[b]):
            cp.start()

    def pipe_body(j, carry):
        for b in range(2):
            ck = j * 2 + b
            for cp in in_copies(ck, ibufs[b], isems[b]):
                cp.wait()

            @pl.when(ck >= 2)
            def _():
                for cp in out_copies(ck - 2, obufs[b], osems[b]):
                    cp.wait()

            compute_chunk(ibufs[b], obufs[b])
            for cp in out_copies(ck, obufs[b], osems[b]):
                cp.start()

            @pl.when(ck + 2 < nchunk)
            def _():
                for cp in in_copies(ck + 2, ibufs[b], isems[b]):
                    cp.start()
        return carry

    lax.fori_loop(0, nchunk // 2, pipe_body, 0)

    for b in range(2):
        for cp in out_copies(nchunk - 2 + b, obufs[b], osems[b]):
            cp.wait()


def kernel(x, LUT):
    B, C, H, W = x.shape
    plane = H * W
    n = B * plane
    per_w = n // _NW
    nchunk = per_w // _CHUNK

    xf = x.reshape(-1)
    lb = lax.bitcast_convert_type(LUT.astype(jnp.bfloat16), jnp.uint16)
    lo = lb.astype(jnp.uint32)
    hi = jnp.concatenate([lb[..., 1:], lb[..., -1:]], axis=-1).astype(jnp.uint32)
    lutw = lax.bitcast_convert_type(lo | (hi << 16), jnp.int32)
    lutf = jnp.pad(lutw.reshape(3, _NLUT),
                   ((0, 0), (0, _NLUT_PAD - _NLUT))).reshape(-1)

    mesh = plsc.VectorSubcoreMesh(core_axis_name="c", subcore_axis_name="s",
                                  num_cores=_NC, num_subcores=_NS)

    def body(x_hbm, lut_hbm, out_hbm, *scratch):
        _body(x_hbm, lut_hbm, out_hbm, *scratch,
              plane=plane, per_w=per_w, nchunk=nchunk)

    out = pl.kernel(
        body,
        out_type=jax.ShapeDtypeStruct((B * C * plane,), jnp.float32),
        mesh=mesh,
        compiler_params=pltpu.CompilerParams(needs_layout_passes=False),
        scratch_types=[
            pltpu.VMEM((_NLUT_PAD,), jnp.int32),
            pltpu.VMEM((_NLUT_PAD,), jnp.int32),
            pltpu.VMEM((_NLUT_PAD,), jnp.int32),
            pltpu.VMEM((3 * _CHUNK,), jnp.float32),
            pltpu.VMEM((3 * _CHUNK,), jnp.float32),
            pltpu.VMEM((3 * _CHUNK,), jnp.float32),
            pltpu.VMEM((3 * _CHUNK,), jnp.float32),
            pltpu.SemaphoreType.DMA,
            pltpu.SemaphoreType.DMA,
            pltpu.SemaphoreType.DMA,
            pltpu.SemaphoreType.DMA,
        ],
    )(xf, lutf)
    return out.reshape(B, C, H, W)

# --- scband reference (transcript-rebuilt; emitter-appended) ---
"""Pipeline reference for scband-generator3-dlut-hr-lut-28467043237890 (READ-ONLY COPY).

The authoritative reference and input builder live on the scoring server;
editing this copy changes nothing except your own understanding.
"""

import jax, jax.numpy as jnp
import numpy as np

DIM = 33

def _trilinear_sample(lut, grid):
    # lut: [3, D, H, W]; grid: [N, 3] with (ix, iy, iz) in [-1, 1]
    # matches torch F.grid_sample(mode='bilinear', padding_mode='border', align_corners=True)
    D, H, W = lut.shape[1], lut.shape[2], lut.shape[3]
    ix = jnp.clip((grid[:, 0] + 1.0) * 0.5 * (W - 1), 0.0, W - 1)
    iy = jnp.clip((grid[:, 1] + 1.0) * 0.5 * (H - 1), 0.0, H - 1)
    iz = jnp.clip((grid[:, 2] + 1.0) * 0.5 * (D - 1), 0.0, D - 1)
    x0f = jnp.floor(ix); y0f = jnp.floor(iy); z0f = jnp.floor(iz)
    wx = ix - x0f; wy = iy - y0f; wz = iz - z0f
    x0 = x0f.astype(jnp.int32); y0 = y0f.astype(jnp.int32); z0 = z0f.astype(jnp.int32)
    x1 = jnp.minimum(x0 + 1, W - 1)
    y1 = jnp.minimum(y0 + 1, H - 1)
    z1 = jnp.minimum(z0 + 1, D - 1)
    def g(zi, yi, xi):
        return lut[:, zi, yi, xi]  # gather -> [3, N]
    c000 = g(z0, y0, x0); c001 = g(z0, y0, x1)
    c010 = g(z0, y1, x0); c011 = g(z0, y1, x1)
    c100 = g(z1, y0, x0); c101 = g(z1, y0, x1)
    c110 = g(z1, y1, x0); c111 = g(z1, y1, x1)
    wx = wx[None, :]; wy = wy[None, :]; wz = wz[None, :]
    c00 = c000 * (1.0 - wx) + c001 * wx
    c01 = c010 * (1.0 - wx) + c011 * wx
    c10 = c100 * (1.0 - wx) + c101 * wx
    c11 = c110 * (1.0 - wx) + c111 * wx
    c0 = c00 * (1.0 - wy) + c01 * wy
    c1 = c10 * (1.0 - wy) + c11 * wy
    return c0 * (1.0 - wz) + c1 * wz  # [3, N]


def setup_inputs(seed: int = 0) -> dict:
    key = jax.random.key(seed)
    k1, k2 = jax.random.split(key)
    x = jax.random.uniform(k1, (8, 3, 512, 512), dtype=jnp.float32)
    # learned parameter: 3D LUT (in the original it is loaded from lut3d_rgb.txt, values in [0,1])
    LUT = jax.random.uniform(k2, (3, DIM, DIM, DIM), dtype=jnp.float32)
    return {"x": x, "LUT": LUT}


def reference(x, LUT):
    B, C, H, W = x.shape
    g = (x - 0.5) * 2.0  # map [0,1] -> [-1,1]
    # torch: x.permute(0,2,3,1)[:, None] -> grid[..., (ix, iy, iz)] = channels (R, G, B)
    grid = jnp.transpose(g, (0, 2, 3, 1)).reshape(-1, 3)  # [B*H*W, 3]
    out = _trilinear_sample(LUT, grid)  # [3, B*H*W]
    out = out.reshape(3, B, H, W)
    return jnp.transpose(out, (1, 0, 2, 3))  # [B, 3, H, W]

if __name__ == "__main__":
    import jax
    _d = setup_inputs()
    print(jax.jit(kernel)(*tuple(_d.values())))

</pallas_src>

<mosaic_0001>
#map = affine_map<(d0, d1) -> (0)>
module attributes {stable_mosaic.version = 14 : i64} {
  func.func @body(%arg0: i32, %arg1: i32, %arg2: memref<6291456xf32, #tpu.memory_space<hbm>>, %arg3: memref<107832xi32, #tpu.memory_space<hbm>>, %arg4: memref<6291456xf32, #tpu.memory_space<hbm>>, %arg5: memref<35944xi32, #tpu.memory_space<vmem>>, %arg6: memref<35944xi32, #tpu.memory_space<vmem>>, %arg7: memref<35944xi32, #tpu.memory_space<vmem>>, %arg8: memref<3072xf32, #tpu.memory_space<vmem>>, %arg9: memref<3072xf32, #tpu.memory_space<vmem>>, %arg10: memref<3072xf32, #tpu.memory_space<vmem>>, %arg11: memref<3072xf32, #tpu.memory_space<vmem>>, %arg12: memref<!tpu.dma_semaphore, #tpu.memory_space<semaphore_mem>>, %arg13: memref<!tpu.dma_semaphore, #tpu.memory_space<semaphore_mem>>, %arg14: memref<!tpu.dma_semaphore, #tpu.memory_space<semaphore_mem>>, %arg15: memref<!tpu.dma_semaphore, #tpu.memory_space<semaphore_mem>>) attributes {dimension_semantics = [#tpu.dimension_semantics<core_parallel>, #tpu.dimension_semantics<subcore_parallel>], iteration_bounds = array<i64: 2, 16>, scalar_prefetch = 0 : i64, scratch_operands = 11 : i64, tpu.core_type = #tpu.core_type<sc_vector_subcore>, window_params = [{transform_indices = #map}, {transform_indices = #map}, {transform_indices = #map}]} {
    %mul3A = arith.constant 2 : i32
    %mul3A_0 = arith.muli %arg1, %mul3A : i32
    %add3A = arith.addi %mul3A_0, %arg0 : i32
    %jit3A = arith.constant 4 : i32
    %div3A = arith.divsi %add3A, %jit3A : i32
    %sign3A = arith.constant 0 : i32
    %sign3A_1 = arith.cmpi sgt, %add3A, %sign3A : i32
    %sign3A_2 = arith.extui %sign3A_1 : i1 to i32
    %sign3A_3 = arith.constant 0 : i32
    %sign3A_4 = arith.cmpi slt, %add3A, %sign3A_3 : i32
    %sign3A_5 = arith.extui %sign3A_4 : i1 to i32
    %sign3A_6 = arith.subi %sign3A_2, %sign3A_5 : i32
    %sign3A_7 = arith.constant 0 : i32
    %sign3A_8 = arith.cmpi sgt, %jit3A, %sign3A_7 : i32
    %sign3A_9 = arith.extui %sign3A_8 : i1 to i32
    %sign3A_10 = arith.constant 0 : i32
    %sign3A_11 = arith.cmpi slt, %jit3A, %sign3A_10 : i32
    %sign3A_12 = arith.extui %sign3A_11 : i1 to i32
    %sign3A_13 = arith.subi %sign3A_9, %sign3A_12 : i32
    %ne3A = arith.cmpi ne, %sign3A_6, %sign3A_13 : i32
    %rem3A = arith.remsi %add3A, %jit3A : i32
    %ne3A_14 = arith.constant 0 : i32
    %ne3A_15 = arith.cmpi ne, %rem3A, %ne3A_14 : i32
    %and3A = arith.andi %ne3A, %ne3A_15 : i1
    %sub3A = arith.constant 1 : i32
    %sub3A_16 = arith.subi %div3A, %sub3A : i32
    %select_n3A = arith.select %and3A, %sub3A_16, %div3A : i32
    %jit3A_17 = arith.constant 4 : i32
    %eq3A = arith.constant 0 : i32
    %eq3A_18 = arith.cmpi eq, %jit3A_17, %eq3A : i32
    %jit3A_19 = arith.constant 1 : i32
    %select_n3A_20 = arith.select %eq3A_18, %jit3A_19, %jit3A_17 : i32
    %rem3A_21 = arith.remsi %add3A, %select_n3A_20 : i32
    %ne3A_22 = arith.constant 0 : i32
    %ne3A_23 = arith.cmpi ne, %rem3A_21, %ne3A_22 : i32
    %lt3A = arith.constant 0 : i32
    %lt3A_24 = arith.cmpi slt, %rem3A_21, %lt3A : i32
    %lt3A_25 = arith.constant 0 : i32
    %lt3A_26 = arith.cmpi slt, %select_n3A_20, %lt3A_25 : i32
    %ne3A_27 = arith.xori %lt3A_24, %lt3A_26 : i1
    %and3A_28 = arith.andi %ne3A_27, %ne3A_23 : i1
    %add3A_29 = arith.addi %rem3A_21, %select_n3A_20 : i32
    %select_n3A_30 = arith.select %and3A_28, %add3A_29, %rem3A_21 : i32
    %mul3A_31 = arith.constant 65536 : i32
    %mul3A_32 = arith.muli %select_n3A_30, %mul3A_31 : i32
    "tpu.region"() ({
      %run_scoped3A = tpu.sem_alloc : memref<!tpu.dma_semaphore, #tpu.memory_space<semaphore_mem>>
      %dma_start3A_153 = arith.constant 0 : i32
      %dma_start3A_154 = tpu.memref_slice %arg3[%dma_start3A_153] : memref<107832xi32, #tpu.memory_space<hbm>> -> memref<35944xi32, #tpu.memory_space<hbm>>
      %dma_start3A_155 = arith.constant 0 : i32
      %dma_start3A_156 = tpu.memref_slice %arg3[%dma_start3A_155] : memref<107832xi32, #tpu.memory_space<hbm>> -> memref<35944xi32, #tpu.memory_space<hbm>>
      tpu.enqueue_dma source(%dma_start3A_156 : memref<35944xi32, #tpu.memory_space<hbm>>) target(%arg5 : memref<35944xi32, #tpu.memory_space<vmem>>) target_semaphore(%run_scoped3A : memref<!tpu.dma_semaphore, #tpu.memory_space<semaphore_mem>>)
      %dma_wait3A_157 = arith.constant 0 : i32
      %dma_wait3A_158 = tpu.memref_slice %arg3[%dma_wait3A_157] : memref<107832xi32, #tpu.memory_space<hbm>> -> memref<35944xi32, #tpu.memory_space<hbm>>
      %dma_wait3A_159 = arith.constant 0 : i32
      %dma_wait3A_160 = tpu.memref_slice %arg3[%dma_wait3A_159] : memref<107832xi32, #tpu.memory_space<hbm>> -> memref<35944xi32, #tpu.memory_space<hbm>>
      tpu.wait_dma2 semaphore(%run_scoped3A : memref<!tpu.dma_semaphore, #tpu.memory_space<semaphore_mem>>) src(%dma_wait3A_160 : memref<35944xi32, #tpu.memory_space<hbm>>) dst(%arg5 : memref<35944xi32, #tpu.memory_space<vmem>>)
      tpu.yield
    }) : () -> ()
    "tpu.region"() ({
      %run_scoped3A = tpu.sem_alloc : memref<!tpu.dma_semaphore, #tpu.memory_space<semaphore_mem>>
      %dma_start3A_153 = arith.constant 35944 : i32
      %dma_start3A_154 = tpu.memref_slice %arg3[%dma_start3A_153] : memref<107832xi32, #tpu.memory_space<hbm>> -> memref<35944xi32, #tpu.memory_space<hbm>>
      %dma_start3A_155 = arith.constant 35944 : i32
      %dma_start3A_156 = tpu.memref_slice %arg3[%dma_start3A_155] : memref<107832xi32, #tpu.memory_space<hbm>> -> memref<35944xi32, #tpu.memory_space<hbm>>
      tpu.enqueue_dma source(%dma_start3A_156 : memref<35944xi32, #tpu.memory_space<hbm>>) target(%arg6 : memref<35944xi32, #tpu.memory_space<vmem>>) target_semaphore(%run_scoped3A : memref<!tpu.dma_semaphore, #tpu.memory_space<semaphore_mem>>)
      %dma_wait3A_157 = arith.constant 35944 : i32
      %dma_wait3A_158 = tpu.memref_slice %arg3[%dma_wait3A_157] : memref<107832xi32, #tpu.memory_space<hbm>> -> memref<35944xi32, #tpu.memory_space<hbm>>
      %dma_wait3A_159 = arith.constant 35944 : i32
      %dma_wait3A_160 = tpu.memref_slice %arg3[%dma_wait3A_159] : memref<107832xi32, #tpu.memory_space<hbm>> -> memref<35944xi32, #tpu.memory_space<hbm>>
      tpu.wait_dma2 semaphore(%run_scoped3A : memref<!tpu.dma_semaphore, #tpu.memory_space<semaphore_mem>>) src(%dma_wait3A_160 : memref<35944xi32, #tpu.memory_space<hbm>>) dst(%arg6 : memref<35944xi32, #tpu.memory_space<vmem>>)
      tpu.yield
    }) : () -> ()
    "tpu.region"() ({
      %run_scoped3A = tpu.sem_alloc : memref<!tpu.dma_semaphore, #tpu.memory_space<semaphore_mem>>
      %dma_start3A_153 = arith.constant 71888 : i32
      %dma_start3A_154 = tpu.memref_slice %arg3[%dma_start3A_153] : memref<107832xi32, #tpu.memory_space<hbm>> -> memref<35944xi32, #tpu.memory_space<hbm>>
      %dma_start3A_155 = arith.constant 71888 : i32
      %dma_start3A_156 = tpu.memref_slice %arg3[%dma_start3A_155] : memref<107832xi32, #tpu.memory_space<hbm>> -> memref<35944xi32, #tpu.memory_space<hbm>>
      tpu.enqueue_dma source(%dma_start3A_156 : memref<35944xi32, #tpu.memory_space<hbm>>) target(%arg7 : memref<35944xi32, #tpu.memory_space<vmem>>) target_semaphore(%run_scoped3A : memref<!tpu.dma_semaphore, #tpu.memory_space<semaphore_mem>>)
      %dma_wait3A_157 = arith.constant 71888 : i32
      %dma_wait3A_158 = tpu.memref_slice %arg3[%dma_wait3A_157] : memref<107832xi32, #tpu.memory_space<hbm>> -> memref<35944xi32, #tpu.memory_space<hbm>>
      %dma_wait3A_159 = arith.constant 71888 : i32
      %dma_wait3A_160 = tpu.memref_slice %arg3[%dma_wait3A_159] : memref<107832xi32, #tpu.memory_space<hbm>> -> memref<35944xi32, #tpu.memory_space<hbm>>
      tpu.wait_dma2 semaphore(%run_scoped3A : memref<!tpu.dma_semaphore, #tpu.memory_space<semaphore_mem>>) src(%dma_wait3A_160 : memref<35944xi32, #tpu.memory_space<hbm>>) dst(%arg7 : memref<35944xi32, #tpu.memory_space<vmem>>)
      tpu.yield
    }) : () -> ()
    %mul3A_33 = arith.constant 3 : i32
    %mul3A_34 = arith.muli %mul3A_33, %select_n3A : i32
    %add3A_35 = arith.constant 0 : i32
    %add3A_36 = arith.addi %mul3A_34, %add3A_35 : i32
    %mul3A_37 = arith.constant 262144 : i32
    %mul3A_38 = arith.muli %add3A_36, %mul3A_37 : i32
    %add3A_39 = arith.addi %mul3A_38, %mul3A_32 : i32
    %mul3A_40 = arith.constant 3 : i32
    %mul3A_41 = arith.muli %mul3A_40, %select_n3A : i32
    %add3A_42 = arith.constant 1 : i32
    %add3A_43 = arith.addi %mul3A_41, %add3A_42 : i32
    %mul3A_44 = arith.constant 262144 : i32
    %mul3A_45 = arith.muli %add3A_43, %mul3A_44 : i32
    %add3A_46 = arith.addi %mul3A_45, %mul3A_32 : i32
    %mul3A_47 = arith.constant 3 : i32
    %mul3A_48 = arith.muli %mul3A_47, %select_n3A : i32
    %add3A_49 = arith.constant 2 : i32
    %add3A_50 = arith.addi %mul3A_48, %add3A_49 : i32
    %mul3A_51 = arith.constant 262144 : i32
    %mul3A_52 = arith.muli %add3A_50, %mul3A_51 : i32
    %add3A_53 = arith.addi %mul3A_52, %mul3A_32 : i32
    %add3A_54 = arith.constant 0 : i32
    %add3A_55 = arith.addi %add3A_39, %add3A_54 : i32
    %add3A_56 = arith.constant 0 : i32
    %add3A_57 = arith.addi %add3A_46, %add3A_56 : i32
    %add3A_58 = arith.constant 0 : i32
    %add3A_59 = arith.addi %add3A_53, %add3A_58 : i32
    %dma_start3A = arith.constant 0 : i32
    %dma_start3A_60 = tpu.memref_slice %arg8[%dma_start3A] : memref<3072xf32, #tpu.memory_space<vmem>> -> memref<1024xf32, #tpu.memory_space<vmem>>
    %dma_start3A_61 = tpu.memref_slice %arg2[%add3A_55] : memref<6291456xf32, #tpu.memory_space<hbm>> -> memref<1024xf32, #tpu.memory_space<hbm>>
    %dma_start3A_62 = arith.constant 0 : i32
    %dma_start3A_63 = tpu.memref_slice %arg8[%dma_start3A_62] : memref<3072xf32, #tpu.memory_space<vmem>> -> memref<1024xf32, #tpu.memory_space<vmem>>
    %dma_start3A_64 = tpu.memref_slice %arg2[%add3A_55] : memref<6291456xf32, #tpu.memory_space<hbm>> -> memref<1024xf32, #tpu.memory_space<hbm>>
    tpu.enqueue_dma source(%dma_start3A_64 : memref<1024xf32, #tpu.memory_space<hbm>>) target(%dma_start3A_63 : memref<1024xf32, #tpu.memory_space<vmem>>) target_semaphore(%arg12 : memref<!tpu.dma_semaphore, #tpu.memory_space<semaphore_mem>>)
    %dma_start3A_65 = arith.constant 1024 : i32
    %dma_start3A_66 = tpu.memref_slice %arg8[%dma_start3A_65] : memref<3072xf32, #tpu.memory_space<vmem>> -> memref<1024xf32, #tpu.memory_space<vmem>>
    %dma_start3A_67 = tpu.memref_slice %arg2[%add3A_57] : memref<6291456xf32, #tpu.memory_space<hbm>> -> memref<1024xf32, #tpu.memory_space<hbm>>
    %dma_start3A_68 = arith.constant 1024 : i32
    %dma_start3A_69 = tpu.memref_slice %arg8[%dma_start3A_68] : memref<3072xf32, #tpu.memory_space<vmem>> -> memref<1024xf32, #tpu.memory_space<vmem>>
    %dma_start3A_70 = tpu.memref_slice %arg2[%add3A_57] : memref<6291456xf32, #tpu.memory_space<hbm>> -> memref<1024xf32, #tpu.memory_space<hbm>>
    tpu.enqueue_dma source(%dma_start3A_70 : memref<1024xf32, #tpu.memory_space<hbm>>) target(%dma_start3A_69 : memref<1024xf32, #tpu.memory_space<vmem>>) target_semaphore(%arg12 : memref<!tpu.dma_semaphore, #tpu.memory_space<semaphore_mem>>)
    %dma_start3A_71 = arith.constant 2048 : i32
    %dma_start3A_72 = tpu.memref_slice %arg8[%dma_start3A_71] : memref<3072xf32, #tpu.memory_space<vmem>> -> memref<1024xf32, #tpu.memory_space<vmem>>
    %dma_start3A_73 = tpu.memref_slice %arg2[%add3A_59] : memref<6291456xf32, #tpu.memory_space<hbm>> -> memref<1024xf32, #tpu.memory_space<hbm>>
    %dma_start3A_74 = arith.constant 2048 : i32
    %dma_start3A_75 = tpu.memref_slice %arg8[%dma_start3A_74] : memref<3072xf32, #tpu.memory_space<vmem>> -> memref<1024xf32, #tpu.memory_space<vmem>>
    %dma_start3A_76 = tpu.memref_slice %arg2[%add3A_59] : memref<6291456xf32, #tpu.memory_space<hbm>> -> memref<1024xf32, #tpu.memory_space<hbm>>
    tpu.enqueue_dma source(%dma_start3A_76 : memref<1024xf32, #tpu.memory_space<hbm>>) target(%dma_start3A_75 : memref<1024xf32, #tpu.memory_space<vmem>>) target_semaphore(%arg12 : memref<!tpu.dma_semaphore, #tpu.memory_space<semaphore_mem>>)
    %add3A_77 = arith.constant 1024 : i32
    %add3A_78 = arith.addi %add3A_39, %add3A_77 : i32
    %add3A_79 = arith.constant 1024 : i32
    %add3A_80 = arith.addi %add3A_46, %add3A_79 : i32
    %add3A_81 = arith.constant 1024 : i32
    %add3A_82 = arith.addi %add3A_53, %add3A_81 : i32
    %dma_start3A_83 = arith.constant 0 : i32
    %dma_start3A_84 = tpu.memref_slice %arg9[%dma_start3A_83] : memref<3072xf32, #tpu.memory_space<vmem>> -> memref<1024xf32, #tpu.memory_space<vmem>>
    %dma_start3A_85 = tpu.memref_slice %arg2[%add3A_78] : memref<6291456xf32, #tpu.memory_space<hbm>> -> memref<1024xf32, #tpu.memory_space<hbm>>
    %dma_start3A_86 = arith.constant 0 : i32
    %dma_start3A_87 = tpu.memref_slice %arg9[%dma_start3A_86] : memref<3072xf32, #tpu.memory_space<vmem>> -> memref<1024xf32, #tpu.memory_space<vmem>>
    %dma_start3A_88 = tpu.memref_slice %arg2[%add3A_78] : memref<6291456xf32, #tpu.memory_space<hbm>> -> memref<1024xf32, #tpu.memory_space<hbm>>
    tpu.enqueue_dma source(%dma_start3A_88 : memref<1024xf32, #tpu.memory_space<hbm>>) target(%dma_start3A_87 : memref<1024xf32, #tpu.memory_space<vmem>>) target_semaphore(%arg13 : memref<!tpu.dma_semaphore, #tpu.memory_space<semaphore_mem>>)
    %dma_start3A_89 = arith.constant 1024 : i32
    %dma_start3A_90 = tpu.memref_slice %arg9[%dma_start3A_89] : memref<3072xf32, #tpu.memory_space<vmem>> -> memref<1024xf32, #tpu.memory_space<vmem>>
    %dma_start3A_91 = tpu.memref_slice %arg2[%add3A_80] : memref<6291456xf32, #tpu.memory_space<hbm>> -> memref<1024xf32, #tpu.memory_space<hbm>>
    %dma_start3A_92 = arith.constant 1024 : i32
    %dma_start3A_93 = tpu.memref_slice %arg9[%dma_start3A_92] : memref<3072xf32, #tpu.memory_space<vmem>> -> memref<1024xf32, #tpu.memory_space<vmem>>
    %dma_start3A_94 = tpu.memref_slice %arg2[%add3A_80] : memref<6291456xf32, #tpu.memory_space<hbm>> -> memref<1024xf32, #tpu.memory_space<hbm>>
    tpu.enqueue_dma source(%dma_start3A_94 : memref<1024xf32, #tpu.memory_space<hbm>>) target(%dma_start3A_93 : memref<1024xf32, #tpu.memory_space<vmem>>) target_semaphore(%arg13 : memref<!tpu.dma_semaphore, #tpu.memory_space<semaphore_mem>>)
    %dma_start3A_95 = arith.constant 2048 : i32
    %dma_start3A_96 = tpu.memref_slice %arg9[%dma_start3A_95] : memref<3072xf32, #tpu.memory_space<vmem>> -> memref<1024xf32, #tpu.memory_space<vmem>>
    %dma_start3A_97 = tpu.memref_slice %arg2[%add3A_82] : memref<6291456xf32, #tpu.memory_space<hbm>> -> memref<1024xf32, #tpu.memory_space<hbm>>
    %dma_start3A_98 = arith.constant 2048 : i32
    %dma_start3A_99 = tpu.memref_slice %arg9[%dma_start3A_98] : memref<3072xf32, #tpu.memory_space<vmem>> -> memref<1024xf32, #tpu.memory_space<vmem>>
    %dma_start3A_100 = tpu.memref_slice %arg2[%add3A_82] : memref<6291456xf32, #tpu.memory_space<hbm>> -> memref<1024xf32, #tpu.memory_space<hbm>>
    tpu.enqueue_dma source(%dma_start3A_100 : memref<1024xf32, #tpu.memory_space<hbm>>) target(%dma_start3A_99 : memref<1024xf32, #tpu.memory_space<vmem>>) target_semaphore(%arg13 : memref<!tpu.dma_semaphore, #tpu.memory_space<semaphore_mem>>)
    %scan3A = arith.constant 0 : i32
    %scan3A_101 = arith.constant 0 : i32
    %scan3A_102 = arith.constant 32 : i32
    %scan3A_103 = arith.addi %scan3A_101, %scan3A_102 : i32
    %scan3A_104 = arith.constant 1 : i32
    scf.for %scan3A_153 = %scan3A_101 to %scan3A_103 step %scan3A_104  : i32 {
      %mul3A_154 = arith.constant 2 : i32
      %mul3A_155 = arith.muli %scan3A_153, %mul3A_154 : i32
      %add3A_156 = arith.constant 0 : i32
      %add3A_157 = arith.addi %mul3A_155, %add3A_156 : i32
      %mul3A_158 = arith.constant 1024 : i32
      %mul3A_159 = arith.muli %add3A_157, %mul3A_158 : i32
      %add3A_160 = arith.addi %add3A_39, %mul3A_159 : i32
      %add3A_161 = arith.addi %add3A_46, %mul3A_159 : i32
      %add3A_162 = arith.addi %add3A_53, %mul3A_159 : i32
      %dma_wait3A_163 = arith.constant 0 : i32
      %dma_wait3A_164 = tpu.memref_slice %arg8[%dma_wait3A_163] : memref<3072xf32, #tpu.memory_space<vmem>> -> memref<1024xf32, #tpu.memory_space<vmem>>
      %dma_wait3A_165 = tpu.memref_slice %arg2[%add3A_160] : memref<6291456xf32, #tpu.memory_space<hbm>> -> memref<1024xf32, #tpu.memory_space<hbm>>
      %dma_wait3A_166 = arith.constant 0 : i32
      %dma_wait3A_167 = tpu.memref_slice %arg8[%dma_wait3A_166] : memref<3072xf32, #tpu.memory_space<vmem>> -> memref<1024xf32, #tpu.memory_space<vmem>>
      %dma_wait3A_168 = tpu.memref_slice %arg2[%add3A_160] : memref<6291456xf32, #tpu.memory_space<hbm>> -> memref<1024xf32, #tpu.memory_space<hbm>>
      tpu.wait_dma2 semaphore(%arg12 : memref<!tpu.dma_semaphore, #tpu.memory_space<semaphore_mem>>) src(%dma_wait3A_168 : memref<1024xf32, #tpu.memory_space<hbm>>) dst(%dma_wait3A_167 : memref<1024xf32, #tpu.memory_space<vmem>>)
      %dma_wait3A_169 = arith.constant 1024 : i32
      %dma_wait3A_170 = tpu.memref_slice %arg8[%dma_wait3A_169] : memref<3072xf32, #tpu.memory_space<vmem>> -> memref<1024xf32, #tpu.memory_space<vmem>>
      %dma_wait3A_171 = tpu.memref_slice %arg2[%add3A_161] : memref<6291456xf32, #tpu.memory_space<hbm>> -> memref<1024xf32, #tpu.memory_space<hbm>>
      %dma_wait3A_172 = arith.constant 1024 : i32
      %dma_wait3A_173 = tpu.memref_slice %arg8[%dma_wait3A_172] : memref<3072xf32, #tpu.memory_space<vmem>> -> memref<1024xf32, #tpu.memory_space<vmem>>
      %dma_wait3A_174 = tpu.memref_slice %arg2[%add3A_161] : memref<6291456xf32, #tpu.memory_space<hbm>> -> memref<1024xf32, #tpu.memory_space<hbm>>
      tpu.wait_dma2 semaphore(%arg12 : memref<!tpu.dma_semaphore, #tpu.memory_space<semaphore_mem>>) src(%dma_wait3A_174 : memref<1024xf32, #tpu.memory_space<hbm>>) dst(%dma_wait3A_173 : memref<1024xf32, #tpu.memory_space<vmem>>)
      %dma_wait3A_175 = arith.constant 2048 : i32
      %dma_wait3A_176 = tpu.memref_slice %arg8[%dma_wait3A_175] : memref<3072xf32, #tpu.memory_space<vmem>> -> memref<1024xf32, #tpu.memory_space<vmem>>
      %dma_wait3A_177 = tpu.memref_slice %arg2[%add3A_162] : memref<6291456xf32, #tpu.memory_space<hbm>> -> memref<1024xf32, #tpu.memory_space<hbm>>
      %dma_wait3A_178 = arith.constant 2048 : i32
      %dma_wait3A_179 = tpu.memref_slice %arg8[%dma_wait3A_178] : memref<3072xf32, #tpu.memory_space<vmem>> -> memref<1024xf32, #tpu.memory_space<vmem>>
      %dma_wait3A_180 = tpu.memref_slice %arg2[%add3A_162] : memref<6291456xf32, #tpu.memory_space<hbm>> -> memref<1024xf32, #tpu.memory_space<hbm>>
      tpu.wait_dma2 semaphore(%arg12 : memref<!tpu.dma_semaphore, #tpu.memory_space<semaphore_mem>>) src(%dma_wait3A_180 : memref<1024xf32, #tpu.memory_space<hbm>>) dst(%dma_wait3A_179 : memref<1024xf32, #tpu.memory_space<vmem>>)
      %ge3A = arith.constant 2 : i32
      %ge3A_181 = arith.cmpi sge, %add3A_157, %ge3A : i32
      %convert_element_type3A = arith.extui %ge3A_181 : i1 to i32
      %cond3A = arith.constant 0 : i32
      %cond3A_182 = arith.cmpi ne, %convert_element_type3A, %cond3A : i32
      scf.if %cond3A_182 {
        %sub3A_280 = arith.constant 2 : i32
        %sub3A_281 = arith.subi %add3A_157, %sub3A_280 : i32
        %mul3A_282 = arith.constant 1024 : i32
        %mul3A_283 = arith.muli %sub3A_281, %mul3A_282 : i32
        %add3A_284 = arith.addi %add3A_39, %mul3A_283 : i32
        %add3A_285 = arith.addi %add3A_46, %mul3A_283 : i32
        %add3A_286 = arith.addi %add3A_53, %mul3A_283 : i32
        %dma_wait3A_287 = arith.constant 0 : i32
        %dma_wait3A_288 = tpu.memref_slice %arg10[%dma_wait3A_287] : memref<3072xf32, #tpu.memory_space<vmem>> -> memref<1024xf32, #tpu.memory_space<vmem>>
        %dma_wait3A_289 = tpu.memref_slice %arg4[%add3A_284] : memref<6291456xf32, #tpu.memory_space<hbm>> -> memref<1024xf32, #tpu.memory_space<hbm>>
        %dma_wait3A_290 = tpu.memref_slice %arg4[%add3A_284] : memref<6291456xf32, #tpu.memory_space<hbm>> -> memref<1024xf32, #tpu.memory_space<hbm>>
        %dma_wait3A_291 = arith.constant 0 : i32
        %dma_wait3A_292 = tpu.memref_slice %arg10[%dma_wait3A_291] : memref<3072xf32, #tpu.memory_space<vmem>> -> memref<1024xf32, #tpu.memory_space<vmem>>
        tpu.wait_dma2 semaphore(%arg14 : memref<!tpu.dma_semaphore, #tpu.memory_space<semaphore_mem>>) src(%dma_wait3A_292 : memref<1024xf32, #tpu.memory_space<vmem>>) dst(%dma_wait3A_290 : memref<1024xf32, #tpu.memory_space<hbm>>)
        %dma_wait3A_293 = arith.constant 1024 : i32
        %dma_wait3A_294 = tpu.memref_slice %arg10[%dma_wait3A_293] : memref<3072xf32, #tpu.memory_space<vmem>> -> memref<1024xf32, #tpu.memory_space<vmem>>
        %dma_wait3A_295 = tpu.memref_slice %arg4[%add3A_285] : memref<6291456xf32, #tpu.memory_space<hbm>> -> memref<1024xf32, #tpu.memory_space<hbm>>
        %dma_wait3A_296 = tpu.memref_slice %arg4[%add3A_285] : memref<6291456xf32, #tpu.memory_space<hbm>> -> memref<1024xf32, #tpu.memory_space<hbm>>
        %dma_wait3A_297 = arith.constant 1024 : i32
        %dma_wait3A_298 = tpu.memref_slice %arg10[%dma_wait3A_297] : memref<3072xf32, #tpu.memory_space<vmem>> -> memref<1024xf32, #tpu.memory_space<vmem>>
        tpu.wait_dma2 semaphore(%arg14 : memref<!tpu.dma_semaphore, #tpu.memory_space<semaphore_mem>>) src(%dma_wait3A_298 : memref<1024xf32, #tpu.memory_space<vmem>>) dst(%dma_wait3A_296 : memref<1024xf32, #tpu.memory_space<hbm>>)
        %dma_wait3A_299 = arith.constant 2048 : i32
        %dma_wait3A_300 = tpu.memref_slice %arg10[%dma_wait3A_299] : memref<3072xf32, #tpu.memory_space<vmem>> -> memref<1024xf32, #tpu.memory_space<vmem>>
        %dma_wait3A_301 = tpu.memref_slice %arg4[%add3A_286] : memref<6291456xf32, #tpu.memory_space<hbm>> -> memref<1024xf32, #tpu.memory_space<hbm>>
        %dma_wait3A_302 = tpu.memref_slice %arg4[%add3A_286] : memref<6291456xf32, #tpu.memory_space<hbm>> -> memref<1024xf32, #tpu.memory_space<hbm>>
        %dma_wait3A_303 = arith.constant 2048 : i32
        %dma_wait3A_304 = tpu.memref_slice %arg10[%dma_wait3A_303] : memref<3072xf32, #tpu.memory_space<vmem>> -> memref<1024xf32, #tpu.memory_space<vmem>>
        tpu.wait_dma2 semaphore(%arg14 : memref<!tpu.dma_semaphore, #tpu.memory_space<semaphore_mem>>) src(%dma_wait3A_304 : memref<1024xf32, #tpu.memory_space<vmem>>) dst(%dma_wait3A_302 : memref<1024xf32, #tpu.memory_space<hbm>>)
      } else {
      }
      %parallel_loop3A = arith.constant 0 : i32
      %parallel_loop3A_183 = arith.constant 64 : i32
      %parallel_loop3A_184 = arith.constant 1 : i32
      scf.for %parallel_loop3A_280 = %parallel_loop3A to %parallel_loop3A_183 step %parallel_loop3A_184  : i32 {
        %parallel_loop3A_281 = arith.constant 16 : i32
        %parallel_loop3A_282 = arith.muli %parallel_loop3A_280, %parallel_loop3A_281 : i32
        %parallel_loop3A_283 = arith.constant 16 : i32
        %parallel_loop3A_284 = arith.muli %parallel_loop3A_280, %parallel_loop3A_283 : i32
        %parallel_loop3A_285 = arith.constant 0 : i32
        %parallel_loop3A_286 = arith.addi %parallel_loop3A_285, %parallel_loop3A_284 : i32
        %parallel_loop3A_287 = arith.index_cast %parallel_loop3A_286 : i32 to index
        %parallel_loop3A_288 = tpu.vector_load %arg8[%parallel_loop3A_287] {strides = array<i32>} : memref<3072xf32, #tpu.memory_space<vmem>>, vector<16xf32>,
        %parallel_loop3A_289 = arith.constant 16 : i32
        %parallel_loop3A_290 = arith.muli %parallel_loop3A_280, %parallel_loop3A_289 : i32
        %parallel_loop3A_291 = arith.constant 1024 : i32
        %parallel_loop3A_292 = arith.addi %parallel_loop3A_291, %parallel_loop3A_290 : i32
        %parallel_loop3A_293 = arith.index_cast %parallel_loop3A_292 : i32 to index
        %parallel_loop3A_294 = tpu.vector_load %arg8[%parallel_loop3A_293] {strides = array<i32>} : memref<3072xf32, #tpu.memory_space<vmem>>, vector<16xf32>,
        %parallel_loop3A_295 = arith.constant 16 : i32
        %parallel_loop3A_296 = arith.muli %parallel_loop3A_280, %parallel_loop3A_295 : i32
        %parallel_loop3A_297 = arith.constant 2048 : i32
        %parallel_loop3A_298 = arith.addi %parallel_loop3A_297, %parallel_loop3A_296 : i32
        %parallel_loop3A_299 = arith.index_cast %parallel_loop3A_298 : i32 to index
        %parallel_loop3A_300 = tpu.vector_load %arg8[%parallel_loop3A_299] {strides = array<i32>} : memref<3072xf32, #tpu.memory_space<vmem>>, vector<16xf32>,
        %parallel_loop3A_301 = arith.constant 3.200000e+01 : f32
        %parallel_loop3A_302 = vector.broadcast %parallel_loop3A_301 : f32 to vector<16xf32>
        %parallel_loop3A_303 = arith.mulf %parallel_loop3A_288, %parallel_loop3A_302 : vector<16xf32>
        %parallel_loop3A_304 = arith.constant 0.000000e+00 : f32
        %parallel_loop3A_305 = vector.broadcast %parallel_loop3A_304 : f32 to vector<16xf32>
        %parallel_loop3A_306 = arith.maximumf %parallel_loop3A_303, %parallel_loop3A_305 : vector<16xf32>
        %parallel_loop3A_307 = arith.constant 3.200000e+01 : f32
        %parallel_loop3A_308 = vector.broadcast %parallel_loop3A_307 : f32 to vector<16xf32>
        %parallel_loop3A_309 = arith.minimumf %parallel_loop3A_306, %parallel_loop3A_308 : vector<16xf32>
        %parallel_loop3A_310 = arith.constant 3.200000e+01 : f32
        %parallel_loop3A_311 = vector.broadcast %parallel_loop3A_310 : f32 to vector<16xf32>
        %parallel_loop3A_312 = arith.mulf %parallel_loop3A_294, %parallel_loop3A_311 : vector<16xf32>
        %parallel_loop3A_313 = arith.constant 0.000000e+00 : f32
        %parallel_loop3A_314 = vector.broadcast %parallel_loop3A_313 : f32 to vector<16xf32>
        %parallel_loop3A_315 = arith.maximumf %parallel_loop3A_312, %parallel_loop3A_314 : vector<16xf32>
        %parallel_loop3A_316 = arith.constant 3.200000e+01 : f32
        %parallel_loop3A_317 = vector.broadcast %parallel_loop3A_316 : f32 to vector<16xf32>
        %parallel_loop3A_318 = arith.minimumf %parallel_loop3A_315, %parallel_loop3A_317 : vector<16xf32>
        %parallel_loop3A_319 = arith.constant 3.200000e+01 : f32
        %parallel_loop3A_320 = vector.broadcast %parallel_loop3A_319 : f32 to vector<16xf32>
        %parallel_loop3A_321 = arith.mulf %parallel_loop3A_300, %parallel_loop3A_320 : vector<16xf32>
        %parallel_loop3A_322 = arith.constant 0.000000e+00 : f32
        %parallel_loop3A_323 = vector.broadcast %parallel_loop3A_322 : f32 to vector<16xf32>
        %parallel_loop3A_324 = arith.maximumf %parallel_loop3A_321, %parallel_loop3A_323 : vector<16xf32>
        %parallel_loop3A_325 = arith.constant 3.200000e+01 : f32
        %parallel_loop3A_326 = vector.broadcast %parallel_loop3A_325 : f32 to vector<16xf32>
        %parallel_loop3A_327 = arith.minimumf %parallel_loop3A_324, %parallel_loop3A_326 : vector<16xf32>
        %parallel_loop3A_328 = arith.fptosi %parallel_loop3A_309 : vector<16xf32> to vector<16xi32>
        %parallel_loop3A_329 = arith.constant 31 : i32
        %parallel_loop3A_330 = vector.broadcast %parallel_loop3A_329 : i32 to vector<16xi32>
        %parallel_loop3A_331 = arith.minsi %parallel_loop3A_328, %parallel_loop3A_330 : vector<16xi32>
        %parallel_loop3A_332 = arith.fptosi %parallel_loop3A_318 : vector<16xf32> to vector<16xi32>
        %parallel_loop3A_333 = arith.constant 31 : i32
        %parallel_loop3A_334 = vector.broadcast %parallel_loop3A_333 : i32 to vector<16xi32>
        %parallel_loop3A_335 = arith.minsi %parallel_loop3A_332, %parallel_loop3A_334 : vector<16xi32>
        %parallel_loop3A_336 = arith.fptosi %parallel_loop3A_327 : vector<16xf32> to vector<16xi32>
        %parallel_loop3A_337 = arith.constant 31 : i32
        %parallel_loop3A_338 = vector.broadcast %parallel_loop3A_337 : i32 to vector<16xi32>
        %parallel_loop3A_339 = arith.minsi %parallel_loop3A_336, %parallel_loop3A_338 : vector<16xi32>
        %parallel_loop3A_340 = arith.sitofp %parallel_loop3A_331 : vector<16xi32> to vector<16xf32>
        %parallel_loop3A_341 = arith.subf %parallel_loop3A_309, %parallel_loop3A_340 : vector<16xf32>
        %parallel_loop3A_342 = arith.sitofp %parallel_loop3A_335 : vector<16xi32> to vector<16xf32>
        %parallel_loop3A_343 = arith.subf %parallel_loop3A_318, %parallel_loop3A_342 : vector<16xf32>
        %parallel_loop3A_344 = arith.sitofp %parallel_loop3A_339 : vector<16xi32> to vector<16xf32>
        %parallel_loop3A_345 = arith.subf %parallel_loop3A_327, %parallel_loop3A_344 : vector<16xf32>
        %parallel_loop3A_346 = arith.constant 1089 : i32
        %parallel_loop3A_347 = vector.broadcast %parallel_loop3A_346 : i32 to vector<16xi32>
        %parallel_loop3A_348 = arith.muli %parallel_loop3A_339, %parallel_loop3A_347 : vector<16xi32>
        %parallel_loop3A_349 = arith.constant 33 : i32
        %parallel_loop3A_350 = vector.broadcast %parallel_loop3A_349 : i32 to vector<16xi32>
        %parallel_loop3A_351 = arith.muli %parallel_loop3A_335, %parallel_loop3A_350 : vector<16xi32>
        %parallel_loop3A_352 = arith.addi %parallel_loop3A_348, %parallel_loop3A_351 : vector<16xi32>
        %parallel_loop3A_353 = arith.addi %parallel_loop3A_352, %parallel_loop3A_331 : vector<16xi32>
        %parallel_loop3A_354 = arith.constant 33 : i32
        %parallel_loop3A_355 = vector.broadcast %parallel_loop3A_354 : i32 to vector<16xi32>
        %parallel_loop3A_356 = arith.addi %parallel_loop3A_353, %parallel_loop3A_355 : vector<16xi32>
        %parallel_loop3A_357 = arith.constant 1089 : i32
        %parallel_loop3A_358 = vector.broadcast %parallel_loop3A_357 : i32 to vector<16xi32>
        %parallel_loop3A_359 = arith.addi %parallel_loop3A_353, %parallel_loop3A_358 : vector<16xi32>
        %parallel_loop3A_360 = arith.constant 33 : i32
        %parallel_loop3A_361 = vector.broadcast %parallel_loop3A_360 : i32 to vector<16xi32>
        %parallel_loop3A_362 = arith.addi %parallel_loop3A_359, %parallel_loop3A_361 : vector<16xi32>
        %parallel_loop3A_363 = arith.constant 1.000000e+00 : f32
        %parallel_loop3A_364 = vector.broadcast %parallel_loop3A_363 : f32 to vector<16xf32>
        %parallel_loop3A_365 = arith.subf %parallel_loop3A_364, %parallel_loop3A_341 : vector<16xf32>
        %parallel_loop3A_366 = arith.constant 1.000000e+00 : f32
        %parallel_loop3A_367 = vector.broadcast %parallel_loop3A_366 : f32 to vector<16xf32>
        %parallel_loop3A_368 = arith.subf %parallel_loop3A_367, %parallel_loop3A_343 : vector<16xf32>
        %parallel_loop3A_369 = arith.constant 1.000000e+00 : f32
        %parallel_loop3A_370 = vector.broadcast %parallel_loop3A_369 : f32 to vector<16xf32>
        %parallel_loop3A_371 = arith.subf %parallel_loop3A_370, %parallel_loop3A_345 : vector<16xf32>
        %parallel_loop3A_372 = arith.mulf %parallel_loop3A_368, %parallel_loop3A_365 : vector<16xf32>
        %parallel_loop3A_373 = arith.mulf %parallel_loop3A_368, %parallel_loop3A_341 : vector<16xf32>
        %parallel_loop3A_374 = arith.mulf %parallel_loop3A_343, %parallel_loop3A_365 : vector<16xf32>
        %parallel_loop3A_375 = arith.mulf %parallel_loop3A_343, %parallel_loop3A_341 : vector<16xf32>
        %parallel_loop3A_376 = arith.mulf %parallel_loop3A_371, %parallel_loop3A_372 : vector<16xf32>
        %parallel_loop3A_377 = arith.mulf %parallel_loop3A_371, %parallel_loop3A_373 : vector<16xf32>
        %parallel_loop3A_378 = arith.mulf %parallel_loop3A_371, %parallel_loop3A_374 : vector<16xf32>
        %parallel_loop3A_379 = arith.mulf %parallel_loop3A_371, %parallel_loop3A_375 : vector<16xf32>
        %parallel_loop3A_380 = arith.mulf %parallel_loop3A_345, %parallel_loop3A_372 : vector<16xf32>
        %parallel_loop3A_381 = arith.mulf %parallel_loop3A_345, %parallel_loop3A_373 : vector<16xf32>
        %parallel_loop3A_382 = arith.mulf %parallel_loop3A_345, %parallel_loop3A_374 : vector<16xf32>
        %parallel_loop3A_383 = arith.mulf %parallel_loop3A_345, %parallel_loop3A_375 : vector<16xf32>
        %parallel_loop3A_384 = tpu.pack_subelements %parallel_loop3A_376, %parallel_loop3A_377 {pack_format = #tpu.pack_format<interleaved>, positions = array<i32: 0, 1>} : vector<16xf32>, vector<16xf32> -> vector<32xbf16>
        %parallel_loop3A_385 = tpu.pack_subelements %parallel_loop3A_378, %parallel_loop3A_379 {pack_format = #tpu.pack_format<interleaved>, positions = array<i32: 0, 1>} : vector<16xf32>, vector<16xf32> -> vector<32xbf16>
        %parallel_loop3A_386 = tpu.pack_subelements %parallel_loop3A_380, %parallel_loop3A_381 {pack_format = #tpu.pack_format<interleaved>, positions = array<i32: 0, 1>} : vector<16xf32>, vector<16xf32> -> vector<32xbf16>
        %parallel_loop3A_387 = tpu.pack_subelements %parallel_loop3A_382, %parallel_loop3A_383 {pack_format = #tpu.pack_format<interleaved>, positions = array<i32: 0, 1>} : vector<16xf32>, vector<16xf32> -> vector<32xbf16>
        %parallel_loop3A_388 = tpu.vector_load_idx %arg5[%parallel_loop3A_353] : memref<35944xi32, #tpu.memory_space<vmem>>[vector<16xi32>], vector<16xi32>,
        %parallel_loop3A_389 = vector.bitcast %parallel_loop3A_388 : vector<16xi32> to vector<32xbf16>
        %parallel_loop3A_390 = arith.mulf %parallel_loop3A_389, %parallel_loop3A_384 : vector<32xbf16>
        %parallel_loop3A_391 = tpu.vector_load_idx %arg5[%parallel_loop3A_356] : memref<35944xi32, #tpu.memory_space<vmem>>[vector<16xi32>], vector<16xi32>,
        %parallel_loop3A_392 = vector.bitcast %parallel_loop3A_391 : vector<16xi32> to vector<32xbf16>
        %parallel_loop3A_393 = arith.mulf %parallel_loop3A_392, %parallel_loop3A_385 : vector<32xbf16>
        %parallel_loop3A_394 = arith.addf %parallel_loop3A_390, %parallel_loop3A_393 : vector<32xbf16>
        %parallel_loop3A_395 = tpu.vector_load_idx %arg5[%parallel_loop3A_359] : memref<35944xi32, #tpu.memory_space<vmem>>[vector<16xi32>], vector<16xi32>,
        %parallel_loop3A_396 = vector.bitcast %parallel_loop3A_395 : vector<16xi32> to vector<32xbf16>
        %parallel_loop3A_397 = arith.mulf %parallel_loop3A_396, %parallel_loop3A_386 : vector<32xbf16>
        %parallel_loop3A_398 = arith.addf %parallel_loop3A_394, %parallel_loop3A_397 : vector<32xbf16>
        %parallel_loop3A_399 = tpu.vector_load_idx %arg5[%parallel_loop3A_362] : memref<35944xi32, #tpu.memory_space<vmem>>[vector<16xi32>], vector<16xi32>,
        %parallel_loop3A_400 = vector.bitcast %parallel_loop3A_399 : vector<16xi32> to vector<32xbf16>
        %parallel_loop3A_401 = arith.mulf %parallel_loop3A_400, %parallel_loop3A_387 : vector<32xbf16>
        %parallel_loop3A_402 = arith.addf %parallel_loop3A_398, %parallel_loop3A_401 : vector<32xbf16>
        %parallel_loop3A_403 = tpu.unpack_subelements %parallel_loop3A_402, 0 {pack_format = #tpu.pack_format<interleaved>} : vector<32xbf16> -> vector<16xf32>
        %parallel_loop3A_404 = tpu.unpack_subelements %parallel_loop3A_402, 1 {pack_format = #tpu.pack_format<interleaved>} : vector<32xbf16> -> vector<16xf32>
        %parallel_loop3A_405 = arith.addf %parallel_loop3A_403, %parallel_loop3A_404 : vector<16xf32>
        %parallel_loop3A_406 = arith.constant 16 : i32
        %parallel_loop3A_407 = arith.muli %parallel_loop3A_280, %parallel_loop3A_406 : i32
        %parallel_loop3A_408 = arith.constant 0 : i32
        %parallel_loop3A_409 = arith.addi %parallel_loop3A_408, %parallel_loop3A_407 : i32
        %parallel_loop3A_410 = arith.index_cast %parallel_loop3A_409 : i32 to index
        %parallel_loop3A_411 = tpu.vector_load %arg10[%parallel_loop3A_410] {strides = array<i32>} : memref<3072xf32, #tpu.memory_space<vmem>>, vector<16xf32>,
        tpu.vector_store %arg10[%parallel_loop3A_410], %parallel_loop3A_405 {strides = array<i32>} : memref<3072xf32, #tpu.memory_space<vmem>>, vector<16xf32>,
        %parallel_loop3A_412 = tpu.vector_load_idx %arg6[%parallel_loop3A_353] : memref<35944xi32, #tpu.memory_space<vmem>>[vector<16xi32>], vector<16xi32>,
        %parallel_loop3A_413 = vector.bitcast %parallel_loop3A_412 : vector<16xi32> to vector<32xbf16>
        %parallel_loop3A_414 = arith.mulf %parallel_loop3A_413, %parallel_loop3A_384 : vector<32xbf16>
        %parallel_loop3A_415 = tpu.vector_load_idx %arg6[%parallel_loop3A_356] : memref<35944xi32, #tpu.memory_space<vmem>>[vector<16xi32>], vector<16xi32>,
        %parallel_loop3A_416 = vector.bitcast %parallel_loop3A_415 : vector<16xi32> to vector<32xbf16>
        %parallel_loop3A_417 = arith.mulf %parallel_loop3A_416, %parallel_loop3A_385 : vector<32xbf16>
        %parallel_loop3A_418 = arith.addf %parallel_loop3A_414, %parallel_loop3A_417 : vector<32xbf16>
        %parallel_loop3A_419 = tpu.vector_load_idx %arg6[%parallel_loop3A_359] : memref<35944xi32, #tpu.memory_space<vmem>>[vector<16xi32>], vector<16xi32>,
        %parallel_loop3A_420 = vector.bitcast %parallel_loop3A_419 : vector<16xi32> to vector<32xbf16>
        %parallel_loop3A_421 = arith.mulf %parallel_loop3A_420, %parallel_loop3A_386 : vector<32xbf16>
        %parallel_loop3A_422 = arith.addf %parallel_loop3A_418, %parallel_loop3A_421 : vector<32xbf16>
        %parallel_loop3A_423 = tpu.vector_load_idx %arg6[%parallel_loop3A_362] : memref<35944xi32, #tpu.memory_space<vmem>>[vector<16xi32>], vector<16xi32>,
        %parallel_loop3A_424 = vector.bitcast %parallel_loop3A_423 : vector<16xi32> to vector<32xbf16>
        %parallel_loop3A_425 = arith.mulf %parallel_loop3A_424, %parallel_loop3A_387 : vector<32xbf16>
        %parallel_loop3A_426 = arith.addf %parallel_loop3A_422, %parallel_loop3A_425 : vector<32xbf16>
        %parallel_loop3A_427 = tpu.unpack_subelements %parallel_loop3A_426, 0 {pack_format = #tpu.pack_format<interleaved>} : vector<32xbf16> -> vector<16xf32>
        %parallel_loop3A_428 = tpu.unpack_subelements %parallel_loop3A_426, 1 {pack_format = #tpu.pack_format<interleaved>} : vector<32xbf16> -> vector<16xf32>
        %parallel_loop3A_429 = arith.addf %parallel_loop3A_427, %parallel_loop3A_428 : vector<16xf32>
        %parallel_loop3A_430 = arith.constant 16 : i32
        %parallel_loop3A_431 = arith.muli %parallel_loop3A_280, %parallel_loop3A_430 : i32
        %parallel_loop3A_432 = arith.constant 1024 : i32
        %parallel_loop3A_433 = arith.addi %parallel_loop3A_432, %parallel_loop3A_431 : i32
        %parallel_loop3A_434 = arith.index_cast %parallel_loop3A_433 : i32 to index
        %parallel_loop3A_435 = tpu.vector_load %arg10[%parallel_loop3A_434] {strides = array<i32>} : memref<3072xf32, #tpu.memory_space<vmem>>, vector<16xf32>,
        tpu.vector_store %arg10[%parallel_loop3A_434], %parallel_loop3A_429 {strides = array<i32>} : memref<3072xf32, #tpu.memory_space<vmem>>, vector<16xf32>,
        %parallel_loop3A_436 = tpu.vector_load_idx %arg7[%parallel_loop3A_353] : memref<35944xi32, #tpu.memory_space<vmem>>[vector<16xi32>], vector<16xi32>,
        %parallel_loop3A_437 = vector.bitcast %parallel_loop3A_436 : vector<16xi32> to vector<32xbf16>
        %parallel_loop3A_438 = arith.mulf %parallel_loop3A_437, %parallel_loop3A_384 : vector<32xbf16>
        %parallel_loop3A_439 = tpu.vector_load_idx %arg7[%parallel_loop3A_356] : memref<35944xi32, #tpu.memory_space<vmem>>[vector<16xi32>], vector<16xi32>,
        %parallel_loop3A_440 = vector.bitcast %parallel_loop3A_439 : vector<16xi32> to vector<32xbf16>
        %parallel_loop3A_441 = arith.mulf %parallel_loop3A_440, %parallel_loop3A_385 : vector<32xbf16>
        %parallel_loop3A_442 = arith.addf %parallel_loop3A_438, %parallel_loop3A_441 : vector<32xbf16>
        %parallel_loop3A_443 = tpu.vector_load_idx %arg7[%parallel_loop3A_359] : memref<35944xi32, #tpu.memory_space<vmem>>[vector<16xi32>], vector<16xi32>,
        %parallel_loop3A_444 = vector.bitcast %parallel_loop3A_443 : vector<16xi32> to vector<32xbf16>
        %parallel_loop3A_445 = arith.mulf %parallel_loop3A_444, %parallel_loop3A_386 : vector<32xbf16>
        %parallel_loop3A_446 = arith.addf %parallel_loop3A_442, %parallel_loop3A_445 : vector<32xbf16>
        %parallel_loop3A_447 = tpu.vector_load_idx %arg7[%parallel_loop3A_362] : memref<35944xi32, #tpu.memory_space<vmem>>[vector<16xi32>], vector<16xi32>,
        %parallel_loop3A_448 = vector.bitcast %parallel_loop3A_447 : vector<16xi32> to vector<32xbf16>
        %parallel_loop3A_449 = arith.mulf %parallel_loop3A_448, %parallel_loop3A_387 : vector<32xbf16>
        %parallel_loop3A_450 = arith.addf %parallel_loop3A_446, %parallel_loop3A_449 : vector<32xbf16>
        %parallel_loop3A_451 = tpu.unpack_subelements %parallel_loop3A_450, 0 {pack_format = #tpu.pack_format<interleaved>} : vector<32xbf16> -> vector<16xf32>
        %parallel_loop3A_452 = tpu.unpack_subelements %parallel_loop3A_450, 1 {pack_format = #tpu.pack_format<interleaved>} : vector<32xbf16> -> vector<16xf32>
        %parallel_loop3A_453 = arith.addf %parallel_loop3A_451, %parallel_loop3A_452 : vector<16xf32>
        %parallel_loop3A_454 = arith.constant 16 : i32
        %parallel_loop3A_455 = arith.muli %parallel_loop3A_280, %parallel_loop3A_454 : i32
        %parallel_loop3A_456 = arith.constant 2048 : i32
        %parallel_loop3A_457 = arith.addi %parallel_loop3A_456, %parallel_loop3A_455 : i32
        %parallel_loop3A_458 = arith.index_cast %parallel_loop3A_457 : i32 to index
        %parallel_loop3A_459 = tpu.vector_load %arg10[%parallel_loop3A_458] {strides = array<i32>} : memref<3072xf32, #tpu.memory_space<vmem>>, vector<16xf32>,
        tpu.vector_store %arg10[%parallel_loop3A_458], %parallel_loop3A_453 {strides = array<i32>} : memref<3072xf32, #tpu.memory_space<vmem>>, vector<16xf32>,
      } {sc.loop_unroll_factor = 2 : i64, sc.parallel_access}
      %mul3A_185 = arith.constant 1024 : i32
      %mul3A_186 = arith.muli %add3A_157, %mul3A_185 : i32
      %add3A_187 = arith.addi %add3A_39, %mul3A_186 : i32
      %add3A_188 = arith.addi %add3A_46, %mul3A_186 : i32
      %add3A_189 = arith.addi %add3A_53, %mul3A_186 : i32
      %dma_start3A_190 = arith.constant 0 : i32
      %dma_start3A_191 = tpu.memref_slice %arg10[%dma_start3A_190] : memref<3072xf32, #tpu.memory_space<vmem>> -> memref<1024xf32, #tpu.memory_space<vmem>>
      %dma_start3A_192 = tpu.memref_slice %arg4[%add3A_187] : memref<6291456xf32, #tpu.memory_space<hbm>> -> memref<1024xf32, #tpu.memory_space<hbm>>
      %dma_start3A_193 = tpu.memref_slice %arg4[%add3A_187] : memref<6291456xf32, #tpu.memory_space<hbm>> -> memref<1024xf32, #tpu.memory_space<hbm>>
      %dma_start3A_194 = arith.constant 0 : i32
      %dma_start3A_195 = tpu.memref_slice %arg10[%dma_start3A_194] : memref<3072xf32, #tpu.memory_space<vmem>> -> memref<1024xf32, #tpu.memory_space<vmem>>
      tpu.enqueue_dma source(%dma_start3A_195 : memref<1024xf32, #tpu.memory_space<vmem>>) target(%dma_start3A_193 : memref<1024xf32, #tpu.memory_space<hbm>>) target_semaphore(%arg14 : memref<!tpu.dma_semaphore, #tpu.memory_space<semaphore_mem>>)
      %dma_start3A_196 = arith.constant 1024 : i32
      %dma_start3A_197 = tpu.memref_slice %arg10[%dma_start3A_196] : memref<3072xf32, #tpu.memory_space<vmem>> -> memref<1024xf32, #tpu.memory_space<vmem>>
      %dma_start3A_198 = tpu.memref_slice %arg4[%add3A_188] : memref<6291456xf32, #tpu.memory_space<hbm>> -> memref<1024xf32, #tpu.memory_space<hbm>>
      %dma_start3A_199 = tpu.memref_slice %arg4[%add3A_188] : memref<6291456xf32, #tpu.memory_space<hbm>> -> memref<1024xf32, #tpu.memory_space<hbm>>
      %dma_start3A_200 = arith.constant 1024 : i32
      %dma_start3A_201 = tpu.memref_slice %arg10[%dma_start3A_200] : memref<3072xf32, #tpu.memory_space<vmem>> -> memref<1024xf32, #tpu.memory_space<vmem>>
      tpu.enqueue_dma source(%dma_start3A_201 : memref<1024xf32, #tpu.memory_space<vmem>>) target(%dma_start3A_199 : memref<1024xf32, #tpu.memory_space<hbm>>) target_semaphore(%arg14 : memref<!tpu.dma_semaphore, #tpu.memory_space<semaphore_mem>>)
      %dma_start3A_202 = arith.constant 2048 : i32
      %dma_start3A_203 = tpu.memref_slice %arg10[%dma_start3A_202] : memref<3072xf32, #tpu.memory_space<vmem>> -> memref<1024xf32, #tpu.memory_space<vmem>>
      %dma_start3A_204 = tpu.memref_slice %arg4[%add3A_189] : memref<6291456xf32, #tpu.memory_space<hbm>> -> memref<1024xf32, #tpu.memory_space<hbm>>
      %dma_start3A_205 = tpu.memref_slice %arg4[%add3A_189] : memref<6291456xf32, #tpu.memory_space<hbm>> -> memref<1024xf32, #tpu.memory_space<hbm>>
      %dma_start3A_206 = arith.constant 2048 : i32
      %dma_start3A_207 = tpu.memref_slice %arg10[%dma_start3A_206] : memref<3072xf32, #tpu.memory_space<vmem>> -> memref<1024xf32, #tpu.memory_space<vmem>>
      tpu.enqueue_dma source(%dma_start3A_207 : memref<1024xf32, #tpu.memory_space<vmem>>) target(%dma_start3A_205 : memref<1024xf32, #tpu.memory_space<hbm>>) target_semaphore(%arg14 : memref<!tpu.dma_semaphore, #tpu.memory_space<semaphore_mem>>)
      %add3A_208 = arith.constant 2 : i32
      %add3A_209 = arith.addi %add3A_157, %add3A_208 : i32
      %lt3A_210 = arith.constant 64 : i32
      %lt3A_211 = arith.cmpi slt, %add3A_209, %lt3A_210 : i32
      %convert_element_type3A_212 = arith.extui %lt3A_211 : i1 to i32
      %cond3A_213 = arith.constant 0 : i32
      %cond3A_214 = arith.cmpi ne, %convert_element_type3A_212, %cond3A_213 : i32
      scf.if %cond3A_214 {
        %add3A_280 = arith.constant 2 : i32
        %add3A_281 = arith.addi %add3A_157, %add3A_280 : i32
        %mul3A_282 = arith.constant 1024 : i32
        %mul3A_283 = arith.muli %add3A_281, %mul3A_282 : i32
        %add3A_284 = arith.addi %add3A_39, %mul3A_283 : i32
        %add3A_285 = arith.addi %add3A_46, %mul3A_283 : i32
        %add3A_286 = arith.addi %add3A_53, %mul3A_283 : i32
        %dma_start3A_287 = arith.constant 0 : i32
        %dma_start3A_288 = tpu.memref_slice %arg8[%dma_start3A_287] : memref<3072xf32, #tpu.memory_space<vmem>> -> memref<1024xf32, #tpu.memory_space<vmem>>
        %dma_start3A_289 = tpu.memref_slice %arg2[%add3A_284] : memref<6291456xf32, #tpu.memory_space<hbm>> -> memref<1024xf32, #tpu.memory_space<hbm>>
        %dma_start3A_290 = arith.constant 0 : i32
        %dma_start3A_291 = tpu.memref_slice %arg8[%dma_start3A_290] : memref<3072xf32, #tpu.memory_space<vmem>> -> memref<1024xf32, #tpu.memory_space<vmem>>
        %dma_start3A_292 = tpu.memref_slice %arg2[%add3A_284] : memref<6291456xf32, #tpu.memory_space<hbm>> -> memref<1024xf32, #tpu.memory_space<hbm>>
        tpu.enqueue_dma source(%dma_start3A_292 : memref<1024xf32, #tpu.memory_space<hbm>>) target(%dma_start3A_291 : memref<1024xf32, #tpu.memory_space<vmem>>) target_semaphore(%arg12 : memref<!tpu.dma_semaphore, #tpu.memory_space<semaphore_mem>>)
        %dma_start3A_293 = arith.constant 1024 : i32
        %dma_start3A_294 = tpu.memref_slice %arg8[%dma_start3A_293] : memref<3072xf32, #tpu.memory_space<vmem>> -> memref<1024xf32, #tpu.memory_space<vmem>>
        %dma_start3A_295 = tpu.memref_slice %arg2[%add3A_285] : memref<6291456xf32, #tpu.memory_space<hbm>> -> memref<1024xf32, #tpu.memory_space<hbm>>
        %dma_start3A_296 = arith.constant 1024 : i32
        %dma_start3A_297 = tpu.memref_slice %arg8[%dma_start3A_296] : memref<3072xf32, #tpu.memory_space<vmem>> -> memref<1024xf32, #tpu.memory_space<vmem>>
        %dma_start3A_298 = tpu.memref_slice %arg2[%add3A_285] : memref<6291456xf32, #tpu.memory_space<hbm>> -> memref<1024xf32, #tpu.memory_space<hbm>>
        tpu.enqueue_dma source(%dma_start3A_298 : memref<1024xf32, #tpu.memory_space<hbm>>) target(%dma_start3A_297 : memref<1024xf32, #tpu.memory_space<vmem>>) target_semaphore(%arg12 : memref<!tpu.dma_semaphore, #tpu.memory_space<semaphore_mem>>)
        %dma_start3A_299 = arith.constant 2048 : i32
        %dma_start3A_300 = tpu.memref_slice %arg8[%dma_start3A_299] : memref<3072xf32, #tpu.memory_space<vmem>> -> memref<1024xf32, #tpu.memory_space<vmem>>
        %dma_start3A_301 = tpu.memref_slice %arg2[%add3A_286] : memref<6291456xf32, #tpu.memory_space<hbm>> -> memref<1024xf32, #tpu.memory_space<hbm>>
        %dma_start3A_302 = arith.constant 2048 : i32
        %dma_start3A_303 = tpu.memref_slice %arg8[%dma_start3A_302] : memref<3072xf32, #tpu.memory_space<vmem>> -> memref<1024xf32, #tpu.memory_space<vmem>>
        %dma_start3A_304 = tpu.memref_slice %arg2[%add3A_286] : memref<6291456xf32, #tpu.memory_space<hbm>> -> memref<1024xf32, #tpu.memory_space<hbm>>
        tpu.enqueue_dma source(%dma_start3A_304 : memref<1024xf32, #tpu.memory_space<hbm>>) target(%dma_start3A_303 : memref<1024xf32, #tpu.memory_space<vmem>>) target_semaphore(%arg12 : memref<!tpu.dma_semaphore, #tpu.memory_space<semaphore_mem>>)
      } else {
      }
      %mul3A_215 = arith.constant 2 : i32
      %mul3A_216 = arith.muli %scan3A_153, %mul3A_215 : i32
      %add3A_217 = arith.constant 1 : i32
      %add3A_218 = arith.addi %mul3A_216, %add3A_217 : i32
      %mul3A_219 = arith.constant 1024 : i32
      %mul3A_220 = arith.muli %add3A_218, %mul3A_219 : i32
      %add3A_221 = arith.addi %add3A_39, %mul3A_220 : i32
      %add3A_222 = arith.addi %add3A_46, %mul3A_220 : i32
      %add3A_223 = arith.addi %add3A_53, %mul3A_220 : i32
      %dma_wait3A_224 = arith.constant 0 : i32
      %dma_wait3A_225 = tpu.memref_slice %arg9[%dma_wait3A_224] : memref<3072xf32, #tpu.memory_space<vmem>> -> memref<1024xf32, #tpu.memory_space<vmem>>
      %dma_wait3A_226 = tpu.memref_slice %arg2[%add3A_221] : memref<6291456xf32, #tpu.memory_space<hbm>> -> memref<1024xf32, #tpu.memory_space<hbm>>
      %dma_wait3A_227 = arith.constant 0 : i32
      %dma_wait3A_228 = tpu.memref_slice %arg9[%dma_wait3A_227] : memref<3072xf32, #tpu.memory_space<vmem>> -> memref<1024xf32, #tpu.memory_space<vmem>>
      %dma_wait3A_229 = tpu.memref_slice %arg2[%add3A_221] : memref<6291456xf32, #tpu.memory_space<hbm>> -> memref<1024xf32, #tpu.memory_space<hbm>>
      tpu.wait_dma2 semaphore(%arg13 : memref<!tpu.dma_semaphore, #tpu.memory_space<semaphore_mem>>) src(%dma_wait3A_229 : memref<1024xf32, #tpu.memory_space<hbm>>) dst(%dma_wait3A_228 : memref<1024xf32, #tpu.memory_space<vmem>>)
      %dma_wait3A_230 = arith.constant 1024 : i32
      %dma_wait3A_231 = tpu.memref_slice %arg9[%dma_wait3A_230] : memref<3072xf32, #tpu.memory_space<vmem>> -> memref<1024xf32, #tpu.memory_space<vmem>>
      %dma_wait3A_232 = tpu.memref_slice %arg2[%add3A_222] : memref<6291456xf32, #tpu.memory_space<hbm>> -> memref<1024xf32, #tpu.memory_space<hbm>>
      %dma_wait3A_233 = arith.constant 1024 : i32
      %dma_wait3A_234 = tpu.memref_slice %arg9[%dma_wait3A_233] : memref<3072xf32, #tpu.memory_space<vmem>> -> memref<1024xf32, #tpu.memory_space<vmem>>
      %dma_wait3A_235 = tpu.memref_slice %arg2[%add3A_222] : memref<6291456xf32, #tpu.memory_space<hbm>> -> memref<1024xf32, #tpu.memory_space<hbm>>
      tpu.wait_dma2 semaphore(%arg13 : memref<!tpu.dma_semaphore, #tpu.memory_space<semaphore_mem>>) src(%dma_wait3A_235 : memref<1024xf32, #tpu.memory_space<hbm>>) dst(%dma_wait3A_234 : memref<1024xf32, #tpu.memory_space<vmem>>)
      %dma_wait3A_236 = arith.constant 2048 : i32
      %dma_wait3A_237 = tpu.memref_slice %arg9[%dma_wait3A_236] : memref<3072xf32, #tpu.memory_space<vmem>> -> memref<1024xf32, #tpu.memory_space<vmem>>
      %dma_wait3A_238 = tpu.memref_slice %arg2[%add3A_223] : memref<6291456xf32, #tpu.memory_space<hbm>> -> memref<1024xf32, #tpu.memory_space<hbm>>
      %dma_wait3A_239 = arith.constant 2048 : i32
      %dma_wait3A_240 = tpu.memref_slice %arg9[%dma_wait3A_239] : memref<3072xf32, #tpu.memory_space<vmem>> -> memref<1024xf32, #tpu.memory_space<vmem>>
      %dma_wait3A_241 = tpu.memref_slice %arg2[%add3A_223] : memref<6291456xf32, #tpu.memory_space<hbm>> -> memref<1024xf32, #tpu.memory_space<hbm>>
      tpu.wait_dma2 semaphore(%arg13 : memref<!tpu.dma_semaphore, #tpu.memory_space<semaphore_mem>>) src(%dma_wait3A_241 : memref<1024xf32, #tpu.memory_space<hbm>>) dst(%dma_wait3A_240 : memref<1024xf32, #tpu.memory_space<vmem>>)
      %ge3A_242 = arith.constant 2 : i32
      %ge3A_243 = arith.cmpi sge, %add3A_218, %ge3A_242 : i32
      %convert_element_type3A_244 = arith.extui %ge3A_243 : i1 to i32
      %cond3A_245 = arith.constant 0 : i32
      %cond3A_246 = arith.cmpi ne, %convert_element_type3A_244, %cond3A_245 : i32
      scf.if %cond3A_246 {
        %sub3A_280 = arith.constant 2 : i32
        %sub3A_281 = arith.subi %add3A_218, %sub3A_280 : i32
        %mul3A_282 = arith.constant 1024 : i32
        %mul3A_283 = arith.muli %sub3A_281, %mul3A_282 : i32
        %add3A_284 = arith.addi %add3A_39, %mul3A_283 : i32
        %add3A_285 = arith.addi %add3A_46, %mul3A_283 : i32
        %add3A_286 = arith.addi %add3A_53, %mul3A_283 : i32
        %dma_wait3A_287 = arith.constant 0 : i32
        %dma_wait3A_288 = tpu.memref_slice %arg11[%dma_wait3A_287] : memref<3072xf32, #tpu.memory_space<vmem>> -> memref<1024xf32, #tpu.memory_space<vmem>>
        %dma_wait3A_289 = tpu.memref_slice %arg4[%add3A_284] : memref<6291456xf32, #tpu.memory_space<hbm>> -> memref<1024xf32, #tpu.memory_space<hbm>>
        %dma_wait3A_290 = tpu.memref_slice %arg4[%add3A_284] : memref<6291456xf32, #tpu.memory_space<hbm>> -> memref<1024xf32, #tpu.memory_space<hbm>>
        %dma_wait3A_291 = arith.constant 0 : i32
        %dma_wait3A_292 = tpu.memref_slice %arg11[%dma_wait3A_291] : memref<3072xf32, #tpu.memory_space<vmem>> -> memref<1024xf32, #tpu.memory_space<vmem>>
        tpu.wait_dma2 semaphore(%arg15 : memref<!tpu.dma_semaphore, #tpu.memory_space<semaphore_mem>>) src(%dma_wait3A_292 : memref<1024xf32, #tpu.memory_space<vmem>>) dst(%dma_wait3A_290 : memref<1024xf32, #tpu.memory_space<hbm>>)
        %dma_wait3A_293 = arith.constant 1024 : i32
        %dma_wait3A_294 = tpu.memref_slice %arg11[%dma_wait3A_293] : memref<3072xf32, #tpu.memory_space<vmem>> -> memref<1024xf32, #tpu.memory_space<vmem>>
        %dma_wait3A_295 = tpu.memref_slice %arg4[%add3A_285] : memref<6291456xf32, #tpu.memory_space<hbm>> -> memref<1024xf32, #tpu.memory_space<hbm>>
        %dma_wait3A_296 = tpu.memref_slice %arg4[%add3A_285] : memref<6291456xf32, #tpu.memory_space<hbm>> -> memref<1024xf32, #tpu.memory_space<hbm>>
        %dma_wait3A_297 = arith.constant 1024 : i32
        %dma_wait3A_298 = tpu.memref_slice %arg11[%dma_wait3A_297] : memref<3072xf32, #tpu.memory_space<vmem>> -> memref<1024xf32, #tpu.memory_space<vmem>>
        tpu.wait_dma2 semaphore(%arg15 : memref<!tpu.dma_semaphore, #tpu.memory_space<semaphore_mem>>) src(%dma_wait3A_298 : memref<1024xf32, #tpu.memory_space<vmem>>) dst(%dma_wait3A_296 : memref<1024xf32, #tpu.memory_space<hbm>>)
        %dma_wait3A_299 = arith.constant 2048 : i32
        %dma_wait3A_300 = tpu.memref_slice %arg11[%dma_wait3A_299] : memref<3072xf32, #tpu.memory_space<vmem>> -> memref<1024xf32, #tpu.memory_space<vmem>>
        %dma_wait3A_301 = tpu.memref_slice %arg4[%add3A_286] : memref<6291456xf32, #tpu.memory_space<hbm>> -> memref<1024xf32, #tpu.memory_space<hbm>>
        %dma_wait3A_302 = tpu.memref_slice %arg4[%add3A_286] : memref<6291456xf32, #tpu.memory_space<hbm>> -> memref<1024xf32, #tpu.memory_space<hbm>>
        %dma_wait3A_303 = arith.constant 2048 : i32
        %dma_wait3A_304 = tpu.memref_slice %arg11[%dma_wait3A_303] : memref<3072xf32, #tpu.memory_space<vmem>> -> memref<1024xf32, #tpu.memory_space<vmem>>
        tpu.wait_dma2 semaphore(%arg15 : memref<!tpu.dma_semaphore, #tpu.memory_space<semaphore_mem>>) src(%dma_wait3A_304 : memref<1024xf32, #tpu.memory_space<vmem>>) dst(%dma_wait3A_302 : memref<1024xf32, #tpu.memory_space<hbm>>)
      } else {
      }
      %parallel_loop3A_247 = arith.constant 0 : i32
      %parallel_loop3A_248 = arith.constant 64 : i32
      %parallel_loop3A_249 = arith.constant 1 : i32
      scf.for %parallel_loop3A_280 = %parallel_loop3A_247 to %parallel_loop3A_248 step %parallel_loop3A_249  : i32 {
        %parallel_loop3A_281 = arith.constant 16 : i32
        %parallel_loop3A_282 = arith.muli %parallel_loop3A_280, %parallel_loop3A_281 : i32
        %parallel_loop3A_283 = arith.constant 16 : i32
        %parallel_loop3A_284 = arith.muli %parallel_loop3A_280, %parallel_loop3A_283 : i32
        %parallel_loop3A_285 = arith.constant 0 : i32
        %parallel_loop3A_286 = arith.addi %parallel_loop3A_285, %parallel_loop3A_284 : i32
        %parallel_loop3A_287 = arith.index_cast %parallel_loop3A_286 : i32 to index
        %parallel_loop3A_288 = tpu.vector_load %arg9[%parallel_loop3A_287] {strides = array<i32>} : memref<3072xf32, #tpu.memory_space<vmem>>, vector<16xf32>,
        %parallel_loop3A_289 = arith.constant 16 : i32
        %parallel_loop3A_290 = arith.muli %parallel_loop3A_280, %parallel_loop3A_289 : i32
        %parallel_loop3A_291 = arith.constant 1024 : i32
        %parallel_loop3A_292 = arith.addi %parallel_loop3A_291, %parallel_loop3A_290 : i32
        %parallel_loop3A_293 = arith.index_cast %parallel_loop3A_292 : i32 to index
        %parallel_loop3A_294 = tpu.vector_load %arg9[%parallel_loop3A_293] {strides = array<i32>} : memref<3072xf32, #tpu.memory_space<vmem>>, vector<16xf32>,
        %parallel_loop3A_295 = arith.constant 16 : i32
        %parallel_loop3A_296 = arith.muli %parallel_loop3A_280, %parallel_loop3A_295 : i32
        %parallel_loop3A_297 = arith.constant 2048 : i32
        %parallel_loop3A_298 = arith.addi %parallel_loop3A_297, %parallel_loop3A_296 : i32
        %parallel_loop3A_299 = arith.index_cast %parallel_loop3A_298 : i32 to index
        %parallel_loop3A_300 = tpu.vector_load %arg9[%parallel_loop3A_299] {strides = array<i32>} : memref<3072xf32, #tpu.memory_space<vmem>>, vector<16xf32>,
        %parallel_loop3A_301 = arith.constant 3.200000e+01 : f32
        %parallel_loop3A_302 = vector.broadcast %parallel_loop3A_301 : f32 to vector<16xf32>
        %parallel_loop3A_303 = arith.mulf %parallel_loop3A_288, %parallel_loop3A_302 : vector<16xf32>
        %parallel_loop3A_304 = arith.constant 0.000000e+00 : f32
        %parallel_loop3A_305 = vector.broadcast %parallel_loop3A_304 : f32 to vector<16xf32>
        %parallel_loop3A_306 = arith.maximumf %parallel_loop3A_303, %parallel_loop3A_305 : vector<16xf32>
        %parallel_loop3A_307 = arith.constant 3.200000e+01 : f32
        %parallel_loop3A_308 = vector.broadcast %parallel_loop3A_307 : f32 to vector<16xf32>
        %parallel_loop3A_309 = arith.minimumf %parallel_loop3A_306, %parallel_loop3A_308 : vector<16xf32>
        %parallel_loop3A_310 = arith.constant 3.200000e+01 : f32
        %parallel_loop3A_311 = vector.broadcast %parallel_loop3A_310 : f32 to vector<16xf32>
        %parallel_loop3A_312 = arith.mulf %parallel_loop3A_294, %parallel_loop3A_311 : vector<16xf32>
        %parallel_loop3A_313 = arith.constant 0.000000e+00 : f32
        %parallel_loop3A_314 = vector.broadcast %parallel_loop3A_313 : f32 to vector<16xf32>
        %parallel_loop3A_315 = arith.maximumf %parallel_loop3A_312, %parallel_loop3A_314 : vector<16xf32>
        %parallel_loop3A_316 = arith.constant 3.200000e+01 : f32
        %parallel_loop3A_317 = vector.broadcast %parallel_loop3A_316 : f32 to vector<16xf32>
        %parallel_loop3A_318 = arith.minimumf %parallel_loop3A_315, %parallel_loop3A_317 : vector<16xf32>
        %parallel_loop3A_319 = arith.constant 3.200000e+01 : f32
        %parallel_loop3A_320 = vector.broadcast %parallel_loop3A_319 : f32 to vector<16xf32>
        %parallel_loop3A_321 = arith.mulf %parallel_loop3A_300, %parallel_loop3A_320 : vector<16xf32>
        %parallel_loop3A_322 = arith.constant 0.000000e+00 : f32
        %parallel_loop3A_323 = vector.broadcast %parallel_loop3A_322 : f32 to vector<16xf32>
        %parallel_loop3A_324 = arith.maximumf %parallel_loop3A_321, %parallel_loop3A_323 : vector<16xf32>
        %parallel_loop3A_325 = arith.constant 3.200000e+01 : f32
        %parallel_loop3A_326 = vector.broadcast %parallel_loop3A_325 : f32 to vector<16xf32>
        %parallel_loop3A_327 = arith.minimumf %parallel_loop3A_324, %parallel_loop3A_326 : vector<16xf32>
        %parallel_loop3A_328 = arith.fptosi %parallel_loop3A_309 : vector<16xf32> to vector<16xi32>
        %parallel_loop3A_329 = arith.constant 31 : i32
        %parallel_loop3A_330 = vector.broadcast %parallel_loop3A_329 : i32 to vector<16xi32>
        %parallel_loop3A_331 = arith.minsi %parallel_loop3A_328, %parallel_loop3A_330 : vector<16xi32>
        %parallel_loop3A_332 = arith.fptosi %parallel_loop3A_318 : vector<16xf32> to vector<16xi32>
        %parallel_loop3A_333 = arith.constant 31 : i32
        %parallel_loop3A_334 = vector.broadcast %parallel_loop3A_333 : i32 to vector<16xi32>
        %parallel_loop3A_335 = arith.minsi %parallel_loop3A_332, %parallel_loop3A_334 : vector<16xi32>
        %parallel_loop3A_336 = arith.fptosi %parallel_loop3A_327 : vector<16xf32> to vector<16xi32>
        %parallel_loop3A_337 = arith.constant 31 : i32
        %parallel_loop3A_338 = vector.broadcast %parallel_loop3A_337 : i32 to vector<16xi32>
        %parallel_loop3A_339 = arith.minsi %parallel_loop3A_336, %parallel_loop3A_338 : vector<16xi32>
        %parallel_loop3A_340 = arith.sitofp %parallel_loop3A_331 : vector<16xi32> to vector<16xf32>
        %parallel_loop3A_341 = arith.subf %parallel_loop3A_309, %parallel_loop3A_340 : vector<16xf32>
        %parallel_loop3A_342 = arith.sitofp %parallel_loop3A_335 : vector<16xi32> to vector<16xf32>
        %parallel_loop3A_343 = arith.subf %parallel_loop3A_318, %parallel_loop3A_342 : vector<16xf32>
        %parallel_loop3A_344 = arith.sitofp %parallel_loop3A_339 : vector<16xi32> to vector<16xf32>
        %parallel_loop3A_345 = arith.subf %parallel_loop3A_327, %parallel_loop3A_344 : vector<16xf32>
        %parallel_loop3A_346 = arith.constant 1089 : i32
        %parallel_loop3A_347 = vector.broadcast %parallel_loop3A_346 : i32 to vector<16xi32>
        %parallel_loop3A_348 = arith.muli %parallel_loop3A_339, %parallel_loop3A_347 : vector<16xi32>
        %parallel_loop3A_349 = arith.constant 33 : i32
        %parallel_loop3A_350 = vector.broadcast %parallel_loop3A_349 : i32 to vector<16xi32>
        %parallel_loop3A_351 = arith.muli %parallel_loop3A_335, %parallel_loop3A_350 : vector<16xi32>
        %parallel_loop3A_352 = arith.addi %parallel_loop3A_348, %parallel_loop3A_351 : vector<16xi32>
        %parallel_loop3A_353 = arith.addi %parallel_loop3A_352, %parallel_loop3A_331 : vector<16xi32>
        %parallel_loop3A_354 = arith.constant 33 : i32
        %parallel_loop3A_355 = vector.broadcast %parallel_loop3A_354 : i32 to vector<16xi32>
        %parallel_loop3A_356 = arith.addi %parallel_loop3A_353, %parallel_loop3A_355 : vector<16xi32>
        %parallel_loop3A_357 = arith.constant 1089 : i32
        %parallel_loop3A_358 = vector.broadcast %parallel_loop3A_357 : i32 to vector<16xi32>
        %parallel_loop3A_359 = arith.addi %parallel_loop3A_353, %parallel_loop3A_358 : vector<16xi32>
        %parallel_loop3A_360 = arith.constant 33 : i32
        %parallel_loop3A_361 = vector.broadcast %parallel_loop3A_360 : i32 to vector<16xi32>
        %parallel_loop3A_362 = arith.addi %parallel_loop3A_359, %parallel_loop3A_361 : vector<16xi32>
        %parallel_loop3A_363 = arith.constant 1.000000e+00 : f32
        %parallel_loop3A_364 = vector.broadcast %parallel_loop3A_363 : f32 to vector<16xf32>
        %parallel_loop3A_365 = arith.subf %parallel_loop3A_364, %parallel_loop3A_341 : vector<16xf32>
        %parallel_loop3A_366 = arith.constant 1.000000e+00 : f32
        %parallel_loop3A_367 = vector.broadcast %parallel_loop3A_366 : f32 to vector<16xf32>
        %parallel_loop3A_368 = arith.subf %parallel_loop3A_367, %parallel_loop3A_343 : vector<16xf32>
        %parallel_loop3A_369 = arith.constant 1.000000e+00 : f32
        %parallel_loop3A_370 = vector.broadcast %parallel_loop3A_369 : f32 to vector<16xf32>
        %parallel_loop3A_371 = arith.subf %parallel_loop3A_370, %parallel_loop3A_345 : vector<16xf32>
        %parallel_loop3A_372 = arith.mulf %parallel_loop3A_368, %parallel_loop3A_365 : vector<16xf32>
        %parallel_loop3A_373 = arith.mulf %parallel_loop3A_368, %parallel_loop3A_341 : vector<16xf32>
        %parallel_loop3A_374 = arith.mulf %parallel_loop3A_343, %parallel_loop3A_365 : vector<16xf32>
        %parallel_loop3A_375 = arith.mulf %parallel_loop3A_343, %parallel_loop3A_341 : vector<16xf32>
        %parallel_loop3A_376 = arith.mulf %parallel_loop3A_371, %parallel_loop3A_372 : vector<16xf32>
        %parallel_loop3A_377 = arith.mulf %parallel_loop3A_371, %parallel_loop3A_373 : vector<16xf32>
        %parallel_loop3A_378 = arith.mulf %parallel_loop3A_371, %parallel_loop3A_374 : vector<16xf32>
        %parallel_loop3A_379 = arith.mulf %parallel_loop3A_371, %parallel_loop3A_375 : vector<16xf32>
        %parallel_loop3A_380 = arith.mulf %parallel_loop3A_345, %parallel_loop3A_372 : vector<16xf32>
        %parallel_loop3A_381 = arith.mulf %parallel_loop3A_345, %parallel_loop3A_373 : vector<16xf32>
        %parallel_loop3A_382 = arith.mulf %parallel_loop3A_345, %parallel_loop3A_374 : vector<16xf32>
        %parallel_loop3A_383 = arith.mulf %parallel_loop3A_345, %parallel_loop3A_375 : vector<16xf32>
        %parallel_loop3A_384 = tpu.pack_subelements %parallel_loop3A_376, %parallel_loop3A_377 {pack_format = #tpu.pack_format<interleaved>, positions = array<i32: 0, 1>} : vector<16xf32>, vector<16xf32> -> vector<32xbf16>
        %parallel_loop3A_385 = tpu.pack_subelements %parallel_loop3A_378, %parallel_loop3A_379 {pack_format = #tpu.pack_format<interleaved>, positions = array<i32: 0, 1>} : vector<16xf32>, vector<16xf32> -> vector<32xbf16>
        %parallel_loop3A_386 = tpu.pack_subelements %parallel_loop3A_380, %parallel_loop3A_381 {pack_format = #tpu.pack_format<interleaved>, positions = array<i32: 0, 1>} : vector<16xf32>, vector<16xf32> -> vector<32xbf16>
        %parallel_loop3A_387 = tpu.pack_subelements %parallel_loop3A_382, %parallel_loop3A_383 {pack_format = #tpu.pack_format<interleaved>, positions = array<i32: 0, 1>} : vector<16xf32>, vector<16xf32> -> vector<32xbf16>
        %parallel_loop3A_388 = tpu.vector_load_idx %arg5[%parallel_loop3A_353] : memref<35944xi32, #tpu.memory_space<vmem>>[vector<16xi32>], vector<16xi32>,
        %parallel_loop3A_389 = vector.bitcast %parallel_loop3A_388 : vector<16xi32> to vector<32xbf16>
        %parallel_loop3A_390 = arith.mulf %parallel_loop3A_389, %parallel_loop3A_384 : vector<32xbf16>
        %parallel_loop3A_391 = tpu.vector_load_idx %arg5[%parallel_loop3A_356] : memref<35944xi32, #tpu.memory_space<vmem>>[vector<16xi32>], vector<16xi32>,
        %parallel_loop3A_392 = vector.bitcast %parallel_loop3A_391 : vector<16xi32> to vector<32xbf16>
        %parallel_loop3A_393 = arith.mulf %parallel_loop3A_392, %parallel_loop3A_385 : vector<32xbf16>
        %parallel_loop3A_394 = arith.addf %parallel_loop3A_390, %parallel_loop3A_393 : vector<32xbf16>
        %parallel_loop3A_395 = tpu.vector_load_idx %arg5[%parallel_loop3A_359] : memref<35944xi32, #tpu.memory_space<vmem>>[vector<16xi32>], vector<16xi32>,
        %parallel_loop3A_396 = vector.bitcast %parallel_loop3A_395 : vector<16xi32> to vector<32xbf16>
        %parallel_loop3A_397 = arith.mulf %parallel_loop3A_396, %parallel_loop3A_386 : vector<32xbf16>
        %parallel_loop3A_398 = arith.addf %parallel_loop3A_394, %parallel_loop3A_397 : vector<32xbf16>
        %parallel_loop3A_399 = tpu.vector_load_idx %arg5[%parallel_loop3A_362] : memref<35944xi32, #tpu.memory_space<vmem>>[vector<16xi32>], vector<16xi32>,
        %parallel_loop3A_400 = vector.bitcast %parallel_loop3A_399 : vector<16xi32> to vector<32xbf16>
        %parallel_loop3A_401 = arith.mulf %parallel_loop3A_400, %parallel_loop3A_387 : vector<32xbf16>
        %parallel_loop3A_402 = arith.addf %parallel_loop3A_398, %parallel_loop3A_401 : vector<32xbf16>
        %parallel_loop3A_403 = tpu.unpack_subelements %parallel_loop3A_402, 0 {pack_format = #tpu.pack_format<interleaved>} : vector<32xbf16> -> vector<16xf32>
        %parallel_loop3A_404 = tpu.unpack_subelements %parallel_loop3A_402, 1 {pack_format = #tpu.pack_format<interleaved>} : vector<32xbf16> -> vector<16xf32>
        %parallel_loop3A_405 = arith.addf %parallel_loop3A_403, %parallel_loop3A_404 : vector<16xf32>
        %parallel_loop3A_406 = arith.constant 16 : i32
        %parallel_loop3A_407 = arith.muli %parallel_loop3A_280, %parallel_loop3A_406 : i32
        %parallel_loop3A_408 = arith.constant 0 : i32
        %parallel_loop3A_409 = arith.addi %parallel_loop3A_408, %parallel_loop3A_407 : i32
        %parallel_loop3A_410 = arith.index_cast %parallel_loop3A_409 : i32 to index
        %parallel_loop3A_411 = tpu.vector_load %arg11[%parallel_loop3A_410] {strides = array<i32>} : memref<3072xf32, #tpu.memory_space<vmem>>, vector<16xf32>,
        tpu.vector_store %arg11[%parallel_loop3A_410], %parallel_loop3A_405 {strides = array<i32>} : memref<3072xf32, #tpu.memory_space<vmem>>, vector<16xf32>,
        %parallel_loop3A_412 = tpu.vector_load_idx %arg6[%parallel_loop3A_353] : memref<35944xi32, #tpu.memory_space<vmem>>[vector<16xi32>], vector<16xi32>,
        %parallel_loop3A_413 = vector.bitcast %parallel_loop3A_412 : vector<16xi32> to vector<32xbf16>
        %parallel_loop3A_414 = arith.mulf %parallel_loop3A_413, %parallel_loop3A_384 : vector<32xbf16>
        %parallel_loop3A_415 = tpu.vector_load_idx %arg6[%parallel_loop3A_356] : memref<35944xi32, #tpu.memory_space<vmem>>[vector<16xi32>], vector<16xi32>,
        %parallel_loop3A_416 = vector.bitcast %parallel_loop3A_415 : vector<16xi32> to vector<32xbf16>
        %parallel_loop3A_417 = arith.mulf %parallel_loop3A_416, %parallel_loop3A_385 : vector<32xbf16>
        %parallel_loop3A_418 = arith.addf %parallel_loop3A_414, %parallel_loop3A_417 : vector<32xbf16>
        %parallel_loop3A_419 = tpu.vector_load_idx %arg6[%parallel_loop3A_359] : memref<35944xi32, #tpu.memory_space<vmem>>[vector<16xi32>], vector<16xi32>,
        %parallel_loop3A_420 = vector.bitcast %parallel_loop3A_419 : vector<16xi32> to vector<32xbf16>
        %parallel_loop3A_421 = arith.mulf %parallel_loop3A_420, %parallel_loop3A_386 : vector<32xbf16>
        %parallel_loop3A_422 = arith.addf %parallel_loop3A_418, %parallel_loop3A_421 : vector<32xbf16>
        %parallel_loop3A_423 = tpu.vector_load_idx %arg6[%parallel_loop3A_362] : memref<35944xi32, #tpu.memory_space<vmem>>[vector<16xi32>], vector<16xi32>,
        %parallel_loop3A_424 = vector.bitcast %parallel_loop3A_423 : vector<16xi32> to vector<32xbf16>
        %parallel_loop3A_425 = arith.mulf %parallel_loop3A_424, %parallel_loop3A_387 : vector<32xbf16>
        %parallel_loop3A_426 = arith.addf %parallel_loop3A_422, %parallel_loop3A_425 : vector<32xbf16>
        %parallel_loop3A_427 = tpu.unpack_subelements %parallel_loop3A_426, 0 {pack_format = #tpu.pack_format<interleaved>} : vector<32xbf16> -> vector<16xf32>
        %parallel_loop3A_428 = tpu.unpack_subelements %parallel_loop3A_426, 1 {pack_format = #tpu.pack_format<interleaved>} : vector<32xbf16> -> vector<16xf32>
        %parallel_loop3A_429 = arith.addf %parallel_loop3A_427, %parallel_loop3A_428 : vector<16xf32>
        %parallel_loop3A_430 = arith.constant 16 : i32
        %parallel_loop3A_431 = arith.muli %parallel_loop3A_280, %parallel_loop3A_430 : i32
        %parallel_loop3A_432 = arith.constant 1024 : i32
        %parallel_loop3A_433 = arith.addi %parallel_loop3A_432, %parallel_loop3A_431 : i32
        %parallel_loop3A_434 = arith.index_cast %parallel_loop3A_433 : i32 to index
        %parallel_loop3A_435 = tpu.vector_load %arg11[%parallel_loop3A_434] {strides = array<i32>} : memref<3072xf32, #tpu.memory_space<vmem>>, vector<16xf32>,
        tpu.vector_store %arg11[%parallel_loop3A_434], %parallel_loop3A_429 {strides = array<i32>} : memref<3072xf32, #tpu.memory_space<vmem>>, vector<16xf32>,
        %parallel_loop3A_436 = tpu.vector_load_idx %arg7[%parallel_loop3A_353] : memref<35944xi32, #tpu.memory_space<vmem>>[vector<16xi32>], vector<16xi32>,
        %parallel_loop3A_437 = vector.bitcast %parallel_loop3A_436 : vector<16xi32> to vector<32xbf16>
        %parallel_loop3A_438 = arith.mulf %parallel_loop3A_437, %parallel_loop3A_384 : vector<32xbf16>
        %parallel_loop3A_439 = tpu.vector_load_idx %arg7[%parallel_loop3A_356] : memref<35944xi32, #tpu.memory_space<vmem>>[vector<16xi32>], vector<16xi32>,
        %parallel_loop3A_440 = vector.bitcast %parallel_loop3A_439 : vector<16xi32> to vector<32xbf16>
        %parallel_loop3A_441 = arith.mulf %parallel_loop3A_440, %parallel_loop3A_385 : vector<32xbf16>
        %parallel_loop3A_442 = arith.addf %parallel_loop3A_438, %parallel_loop3A_441 : vector<32xbf16>
        %parallel_loop3A_443 = tpu.vector_load_idx %arg7[%parallel_loop3A_359] : memref<35944xi32, #tpu.memory_space<vmem>>[vector<16xi32>], vector<16xi32>,
        %parallel_loop3A_444 = vector.bitcast %parallel_loop3A_443 : vector<16xi32> to vector<32xbf16>
        %parallel_loop3A_445 = arith.mulf %parallel_loop3A_444, %parallel_loop3A_386 : vector<32xbf16>
        %parallel_loop3A_446 = arith.addf %parallel_loop3A_442, %parallel_loop3A_445 : vector<32xbf16>
        %parallel_loop3A_447 = tpu.vector_load_idx %arg7[%parallel_loop3A_362] : memref<35944xi32, #tpu.memory_space<vmem>>[vector<16xi32>], vector<16xi32>,
        %parallel_loop3A_448 = vector.bitcast %parallel_loop3A_447 : vector<16xi32> to vector<32xbf16>
        %parallel_loop3A_449 = arith.mulf %parallel_loop3A_448, %parallel_loop3A_387 : vector<32xbf16>
        %parallel_loop3A_450 = arith.addf %parallel_loop3A_446, %parallel_loop3A_449 : vector<32xbf16>
        %parallel_loop3A_451 = tpu.unpack_subelements %parallel_loop3A_450, 0 {pack_format = #tpu.pack_format<interleaved>} : vector<32xbf16> -> vector<16xf32>
        %parallel_loop3A_452 = tpu.unpack_subelements %parallel_loop3A_450, 1 {pack_format = #tpu.pack_format<interleaved>} : vector<32xbf16> -> vector<16xf32>
        %parallel_loop3A_453 = arith.addf %parallel_loop3A_451, %parallel_loop3A_452 : vector<16xf32>
        %parallel_loop3A_454 = arith.constant 16 : i32
        %parallel_loop3A_455 = arith.muli %parallel_loop3A_280, %parallel_loop3A_454 : i32
        %parallel_loop3A_456 = arith.constant 2048 : i32
        %parallel_loop3A_457 = arith.addi %parallel_loop3A_456, %parallel_loop3A_455 : i32
        %parallel_loop3A_458 = arith.index_cast %parallel_loop3A_457 : i32 to index
        %parallel_loop3A_459 = tpu.vector_load %arg11[%parallel_loop3A_458] {strides = array<i32>} : memref<3072xf32, #tpu.memory_space<vmem>>, vector<16xf32>,
        tpu.vector_store %arg11[%parallel_loop3A_458], %parallel_loop3A_453 {strides = array<i32>} : memref<3072xf32, #tpu.memory_space<vmem>>, vector<16xf32>,
      } {sc.loop_unroll_factor = 2 : i64, sc.parallel_access}
      %mul3A_250 = arith.constant 1024 : i32
      %mul3A_251 = arith.muli %add3A_218, %mul3A_250 : i32
      %add3A_252 = arith.addi %add3A_39, %mul3A_251 : i32
      %add3A_253 = arith.addi %add3A_46, %mul3A_251 : i32
      %add3A_254 = arith.addi %add3A_53, %mul3A_251 : i32
      %dma_start3A_255 = arith.constant 0 : i32
      %dma_start3A_256 = tpu.memref_slice %arg11[%dma_start3A_255] : memref<3072xf32, #tpu.memory_space<vmem>> -> memref<1024xf32, #tpu.memory_space<vmem>>
      %dma_start3A_257 = tpu.memref_slice %arg4[%add3A_252] : memref<6291456xf32, #tpu.memory_space<hbm>> -> memref<1024xf32, #tpu.memory_space<hbm>>
      %dma_start3A_258 = tpu.memref_slice %arg4[%add3A_252] : memref<6291456xf32, #tpu.memory_space<hbm>> -> memref<1024xf32, #tpu.memory_space<hbm>>
      %dma_start3A_259 = arith.constant 0 : i32
      %dma_start3A_260 = tpu.memref_slice %arg11[%dma_start3A_259] : memref<3072xf32, #tpu.memory_space<vmem>> -> memref<1024xf32, #tpu.memory_space<vmem>>
      tpu.enqueue_dma source(%dma_start3A_260 : memref<1024xf32, #tpu.memory_space<vmem>>) target(%dma_start3A_258 : memref<1024xf32, #tpu.memory_space<hbm>>) target_semaphore(%arg15 : memref<!tpu.dma_semaphore, #tpu.memory_space<semaphore_mem>>)
      %dma_start3A_261 = arith.constant 1024 : i32
      %dma_start3A_262 = tpu.memref_slice %arg11[%dma_start3A_261] : memref<3072xf32, #tpu.memory_space<vmem>> -> memref<1024xf32, #tpu.memory_space<vmem>>
      %dma_start3A_263 = tpu.memref_slice %arg4[%add3A_253] : memref<6291456xf32, #tpu.memory_space<hbm>> -> memref<1024xf32, #tpu.memory_space<hbm>>
      %dma_start3A_264 = tpu.memref_slice %arg4[%add3A_253] : memref<6291456xf32, #tpu.memory_space<hbm>> -> memref<1024xf32, #tpu.memory_space<hbm>>
      %dma_start3A_265 = arith.constant 1024 : i32
      %dma_start3A_266 = tpu.memref_slice %arg11[%dma_start3A_265] : memref<3072xf32, #tpu.memory_space<vmem>> -> memref<1024xf32, #tpu.memory_space<vmem>>
      tpu.enqueue_dma source(%dma_start3A_266 : memref<1024xf32, #tpu.memory_space<vmem>>) target(%dma_start3A_264 : memref<1024xf32, #tpu.memory_space<hbm>>) target_semaphore(%arg15 : memref<!tpu.dma_semaphore, #tpu.memory_space<semaphore_mem>>)
      %dma_start3A_267 = arith.constant 2048 : i32
      %dma_start3A_268 = tpu.memref_slice %arg11[%dma_start3A_267] : memref<3072xf32, #tpu.memory_space<vmem>> -> memref<1024xf32, #tpu.memory_space<vmem>>
      %dma_start3A_269 = tpu.memref_slice %arg4[%add3A_254] : memref<6291456xf32, #tpu.memory_space<hbm>> -> memref<1024xf32, #tpu.memory_space<hbm>>
      %dma_start3A_270 = tpu.memref_slice %arg4[%add3A_254] : memref<6291456xf32, #tpu.memory_space<hbm>> -> memref<1024xf32, #tpu.memory_space<hbm>>
      %dma_start3A_271 = arith.constant 2048 : i32
      %dma_start3A_272 = tpu.memref_slice %arg11[%dma_start3A_271] : memref<3072xf32, #tpu.memory_space<vmem>> -> memref<1024xf32, #tpu.memory_space<vmem>>
      tpu.enqueue_dma source(%dma_start3A_272 : memref<1024xf32, #tpu.memory_space<vmem>>) target(%dma_start3A_270 : memref<1024xf32, #tpu.memory_space<hbm>>) target_semaphore(%arg15 : memref<!tpu.dma_semaphore, #tpu.memory_space<semaphore_mem>>)
      %add3A_273 = arith.constant 2 : i32
      %add3A_274 = arith.addi %add3A_218, %add3A_273 : i32
      %lt3A_275 = arith.constant 64 : i32
      %lt3A_276 = arith.cmpi slt, %add3A_274, %lt3A_275 : i32
      %convert_element_type3A_277 = arith.extui %lt3A_276 : i1 to i32
      %cond3A_278 = arith.constant 0 : i32
      %cond3A_279 = arith.cmpi ne, %convert_element_type3A_277, %cond3A_278 : i32
      scf.if %cond3A_279 {
        %add3A_280 = arith.constant 2 : i32
        %add3A_281 = arith.addi %add3A_218, %add3A_280 : i32
        %mul3A_282 = arith.constant 1024 : i32
        %mul3A_283 = arith.muli %add3A_281, %mul3A_282 : i32
        %add3A_284 = arith.addi %add3A_39, %mul3A_283 : i32
        %add3A_285 = arith.addi %add3A_46, %mul3A_283 : i32
        %add3A_286 = arith.addi %add3A_53, %mul3A_283 : i32
        %dma_start3A_287 = arith.constant 0 : i32
        %dma_start3A_288 = tpu.memref_slice %arg9[%dma_start3A_287] : memref<3072xf32, #tpu.memory_space<vmem>> -> memref<1024xf32, #tpu.memory_space<vmem>>
        %dma_start3A_289 = tpu.memref_slice %arg2[%add3A_284] : memref<6291456xf32, #tpu.memory_space<hbm>> -> memref<1024xf32, #tpu.memory_space<hbm>>
        %dma_start3A_290 = arith.constant 0 : i32
        %dma_start3A_291 = tpu.memref_slice %arg9[%dma_start3A_290] : memref<3072xf32, #tpu.memory_space<vmem>> -> memref<1024xf32, #tpu.memory_space<vmem>>
        %dma_start3A_292 = tpu.memref_slice %arg2[%add3A_284] : memref<6291456xf32, #tpu.memory_space<hbm>> -> memref<1024xf32, #tpu.memory_space<hbm>>
        tpu.enqueue_dma source(%dma_start3A_292 : memref<1024xf32, #tpu.memory_space<hbm>>) target(%dma_start3A_291 : memref<1024xf32, #tpu.memory_space<vmem>>) target_semaphore(%arg13 : memref<!tpu.dma_semaphore, #tpu.memory_space<semaphore_mem>>)
        %dma_start3A_293 = arith.constant 1024 : i32
        %dma_start3A_294 = tpu.memref_slice %arg9[%dma_start3A_293] : memref<3072xf32, #tpu.memory_space<vmem>> -> memref<1024xf32, #tpu.memory_space<vmem>>
        %dma_start3A_295 = tpu.memref_slice %arg2[%add3A_285] : memref<6291456xf32, #tpu.memory_space<hbm>> -> memref<1024xf32, #tpu.memory_space<hbm>>
        %dma_start3A_296 = arith.constant 1024 : i32
        %dma_start3A_297 = tpu.memref_slice %arg9[%dma_start3A_296] : memref<3072xf32, #tpu.memory_space<vmem>> -> memref<1024xf32, #tpu.memory_space<vmem>>
        %dma_start3A_298 = tpu.memref_slice %arg2[%add3A_285] : memref<6291456xf32, #tpu.memory_space<hbm>> -> memref<1024xf32, #tpu.memory_space<hbm>>
        tpu.enqueue_dma source(%dma_start3A_298 : memref<1024xf32, #tpu.memory_space<hbm>>) target(%dma_start3A_297 : memref<1024xf32, #tpu.memory_space<vmem>>) target_semaphore(%arg13 : memref<!tpu.dma_semaphore, #tpu.memory_space<semaphore_mem>>)
        %dma_start3A_299 = arith.constant 2048 : i32
        %dma_start3A_300 = tpu.memref_slice %arg9[%dma_start3A_299] : memref<3072xf32, #tpu.memory_space<vmem>> -> memref<1024xf32, #tpu.memory_space<vmem>>
        %dma_start3A_301 = tpu.memref_slice %arg2[%add3A_286] : memref<6291456xf32, #tpu.memory_space<hbm>> -> memref<1024xf32, #tpu.memory_space<hbm>>
        %dma_start3A_302 = arith.constant 2048 : i32
        %dma_start3A_303 = tpu.memref_slice %arg9[%dma_start3A_302] : memref<3072xf32, #tpu.memory_space<vmem>> -> memref<1024xf32, #tpu.memory_space<vmem>>
        %dma_start3A_304 = tpu.memref_slice %arg2[%add3A_286] : memref<6291456xf32, #tpu.memory_space<hbm>> -> memref<1024xf32, #tpu.memory_space<hbm>>
        tpu.enqueue_dma source(%dma_start3A_304 : memref<1024xf32, #tpu.memory_space<hbm>>) target(%dma_start3A_303 : memref<1024xf32, #tpu.memory_space<vmem>>) target_semaphore(%arg13 : memref<!tpu.dma_semaphore, #tpu.memory_space<semaphore_mem>>)
      } else {
      }
    }
    %scan3A_105 = arith.constant 32 : i32
    %add3A_106 = arith.constant 63488 : i32
    %add3A_107 = arith.addi %add3A_39, %add3A_106 : i32
    %add3A_108 = arith.constant 63488 : i32
    %add3A_109 = arith.addi %add3A_46, %add3A_108 : i32
    %add3A_110 = arith.constant 63488 : i32
    %add3A_111 = arith.addi %add3A_53, %add3A_110 : i32
    %dma_wait3A = arith.constant 0 : i32
    %dma_wait3A_112 = tpu.memref_slice %arg10[%dma_wait3A] : memref<3072xf32, #tpu.memory_space<vmem>> -> memref<1024xf32, #tpu.memory_space<vmem>>
    %dma_wait3A_113 = tpu.memref_slice %arg4[%add3A_107] : memref<6291456xf32, #tpu.memory_space<hbm>> -> memref<1024xf32, #tpu.memory_space<hbm>>
    %dma_wait3A_114 = tpu.memref_slice %arg4[%add3A_107] : memref<6291456xf32, #tpu.memory_space<hbm>> -> memref<1024xf32, #tpu.memory_space<hbm>>
    %dma_wait3A_115 = arith.constant 0 : i32
    %dma_wait3A_116 = tpu.memref_slice %arg10[%dma_wait3A_115] : memref<3072xf32, #tpu.memory_space<vmem>> -> memref<1024xf32, #tpu.memory_space<vmem>>
    tpu.wait_dma2 semaphore(%arg14 : memref<!tpu.dma_semaphore, #tpu.memory_space<semaphore_mem>>) src(%dma_wait3A_116 : memref<1024xf32, #tpu.memory_space<vmem>>) dst(%dma_wait3A_114 : memref<1024xf32, #tpu.memory_space<hbm>>)
    %dma_wait3A_117 = arith.constant 1024 : i32
    %dma_wait3A_118 = tpu.memref_slice %arg10[%dma_wait3A_117] : memref<3072xf32, #tpu.memory_space<vmem>> -> memref<1024xf32, #tpu.memory_space<vmem>>
    %dma_wait3A_119 = tpu.memref_slice %arg4[%add3A_109] : memref<6291456xf32, #tpu.memory_space<hbm>> -> memref<1024xf32, #tpu.memory_space<hbm>>
    %dma_wait3A_120 = tpu.memref_slice %arg4[%add3A_109] : memref<6291456xf32, #tpu.memory_space<hbm>> -> memref<1024xf32, #tpu.memory_space<hbm>>
    %dma_wait3A_121 = arith.constant 1024 : i32
    %dma_wait3A_122 = tpu.memref_slice %arg10[%dma_wait3A_121] : memref<3072xf32, #tpu.memory_space<vmem>> -> memref<1024xf32, #tpu.memory_space<vmem>>
    tpu.wait_dma2 semaphore(%arg14 : memref<!tpu.dma_semaphore, #tpu.memory_space<semaphore_mem>>) src(%dma_wait3A_122 : memref<1024xf32, #tpu.memory_space<vmem>>) dst(%dma_wait3A_120 : memref<1024xf32, #tpu.memory_space<hbm>>)
    %dma_wait3A_123 = arith.constant 2048 : i32
    %dma_wait3A_124 = tpu.memref_slice %arg10[%dma_wait3A_123] : memref<3072xf32, #tpu.memory_space<vmem>> -> memref<1024xf32, #tpu.memory_space<vmem>>
    %dma_wait3A_125 = tpu.memref_slice %arg4[%add3A_111] : memref<6291456xf32, #tpu.memory_space<hbm>> -> memref<1024xf32, #tpu.memory_space<hbm>>
    %dma_wait3A_126 = tpu.memref_slice %arg4[%add3A_111] : memref<6291456xf32, #tpu.memory_space<hbm>> -> memref<1024xf32, #tpu.memory_space<hbm>>
    %dma_wait3A_127 = arith.constant 2048 : i32
    %dma_wait3A_128 = tpu.memref_slice %arg10[%dma_wait3A_127] : memref<3072xf32, #tpu.memory_space<vmem>> -> memref<1024xf32, #tpu.memory_space<vmem>>
    tpu.wait_dma2 semaphore(%arg14 : memref<!tpu.dma_semaphore, #tpu.memory_space<semaphore_mem>>) src(%dma_wait3A_128 : memref<1024xf32, #tpu.memory_space<vmem>>) dst(%dma_wait3A_126 : memref<1024xf32, #tpu.memory_space<hbm>>)
    %add3A_129 = arith.constant 64512 : i32
    %add3A_130 = arith.addi %add3A_39, %add3A_129 : i32
    %add3A_131 = arith.constant 64512 : i32
    %add3A_132 = arith.addi %add3A_46, %add3A_131 : i32
    %add3A_133 = arith.constant 64512 : i32
    %add3A_134 = arith.addi %add3A_53, %add3A_133 : i32
    %dma_wait3A_135 = arith.constant 0 : i32
    %dma_wait3A_136 = tpu.memref_slice %arg11[%dma_wait3A_135] : memref<3072xf32, #tpu.memory_space<vmem>> -> memref<1024xf32, #tpu.memory_space<vmem>>
    %dma_wait3A_137 = tpu.memref_slice %arg4[%add3A_130] : memref<6291456xf32, #tpu.memory_space<hbm>> -> memref<1024xf32, #tpu.memory_space<hbm>>
    %dma_wait3A_138 = tpu.memref_slice %arg4[%add3A_130] : memref<6291456xf32, #tpu.memory_space<hbm>> -> memref<1024xf32, #tpu.memory_space<hbm>>
    %dma_wait3A_139 = arith.constant 0 : i32
    %dma_wait3A_140 = tpu.memref_slice %arg11[%dma_wait3A_139] : memref<3072xf32, #tpu.memory_space<vmem>> -> memref<1024xf32, #tpu.memory_space<vmem>>
    tpu.wait_dma2 semaphore(%arg15 : memref<!tpu.dma_semaphore, #tpu.memory_space<semaphore_mem>>) src(%dma_wait3A_140 : memref<1024xf32, #tpu.memory_space<vmem>>) dst(%dma_wait3A_138 : memref<1024xf32, #tpu.memory_space<hbm>>)
    %dma_wait3A_141 = arith.constant 1024 : i32
    %dma_wait3A_142 = tpu.memref_slice %arg11[%dma_wait3A_141] : memref<3072xf32, #tpu.memory_space<vmem>> -> memref<1024xf32, #tpu.memory_space<vmem>>
    %dma_wait3A_143 = tpu.memref_slice %arg4[%add3A_132] : memref<6291456xf32, #tpu.memory_space<hbm>> -> memref<1024xf32, #tpu.memory_space<hbm>>
    %dma_wait3A_144 = tpu.memref_slice %arg4[%add3A_132] : memref<6291456xf32, #tpu.memory_space<hbm>> -> memref<1024xf32, #tpu.memory_space<hbm>>
    %dma_wait3A_145 = arith.constant 1024 : i32
    %dma_wait3A_146 = tpu.memref_slice %arg11[%dma_wait3A_145] : memref<3072xf32, #tpu.memory_space<vmem>> -> memref<1024xf32, #tpu.memory_space<vmem>>
    tpu.wait_dma2 semaphore(%arg15 : memref<!tpu.dma_semaphore, #tpu.memory_space<semaphore_mem>>) src(%dma_wait3A_146 : memref<1024xf32, #tpu.memory_space<vmem>>) dst(%dma_wait3A_144 : memref<1024xf32, #tpu.memory_space<hbm>>)
    %dma_wait3A_147 = arith.constant 2048 : i32
    %dma_wait3A_148 = tpu.memref_slice %arg11[%dma_wait3A_147] : memref<3072xf32, #tpu.memory_space<vmem>> -> memref<1024xf32, #tpu.memory_space<vmem>>
    %dma_wait3A_149 = tpu.memref_slice %arg4[%add3A_134] : memref<6291456xf32, #tpu.memory_space<hbm>> -> memref<1024xf32, #tpu.memory_space<hbm>>
    %dma_wait3A_150 = tpu.memref_slice %arg4[%add3A_134] : memref<6291456xf32, #tpu.memory_space<hbm>> -> memref<1024xf32, #tpu.memory_space<hbm>>
    %dma_wait3A_151 = arith.constant 2048 : i32
    %dma_wait3A_152 = tpu.memref_slice %arg11[%dma_wait3A_151] : memref<3072xf32, #tpu.memory_space<vmem>> -> memref<1024xf32, #tpu.memory_space<vmem>>
    tpu.wait_dma2 semaphore(%arg15 : memref<!tpu.dma_semaphore, #tpu.memory_space<semaphore_mem>>) src(%dma_wait3A_152 : memref<1024xf32, #tpu.memory_space<vmem>>) dst(%dma_wait3A_150 : memref<1024xf32, #tpu.memory_space<hbm>>)
    return
  }
}

</mosaic_0001>

<sc_bundles>
// kernel: kernel.3.cloned.1.call-start
scs
__scs_entry_jumppad:
0x0: {  	(pc) =	sbr.rel $0x88, $3  }
0x1: {  	(tag) =	ssettag $0x0;
	lr =	simm.s32 $0x1  }
0x2: {  	[smem:$0x3F9F] =	sst lr;
	_ =	strace $0xD0000000  }
0x3: {  	_ = 	snop  }
0x4: {  	_ = 	snop  }
0x5: {  	_ = 	snop  }
0x6: {  	_ = 	snop  }
0x7: {  	_ = 	snop  }
__scs_overlays_trampoline_lowered:
0x8: {  	[smem:$0x3FAE] =	sst s0  }
0x9: {  	[smem:$0x3FAF] =	sst s1  }
0xa: {  	[smem:$0x3FB0] =	sst s2  }
0xb: {  	[smem:$0x3FB1] =	sst s3  }
0xc: {  	[smem:$0x3FB2] =	sst s4  }
0xd: {  	[smem:$0x3FB3] =	sst s5  }
0xe: {  	[smem:$0x3FB4] =	sst s6  }
0xf: {  	[smem:$0x3FB5] =	sst s7  }
0x10: {  	[smem:$0x3FB6] =	sst s8  }
0x11: {  	[smem:$0x3FB7] =	sst s9;
	s0 =	simm.s32 @!p0 $0x0  }
0x12: {  	s1 =	sld [smem:$0x3F9D];
	s0 =	simm.s32 @p0 $0x1  }
0x13: {  	[smem:$0x3FB8] =	sst s0;
	s0 =	simm.s32 @!p1 $0x0  }
0x14: {  	s2 =	sld [smem:$0x3F9C];
	s0 =	simm.s32 @p1 $0x1  }
0x15: {  	[smem:$0x3FB9] =	sst s0;
	s0 =	simm.s32 @!p2 $0x0  }
0x16: {  	s3 =	sld [smem:$0x3FDB];
	s0 =	simm.s32 @p2 $0x1  }
0x17: {  	s4 =	simm.s32 $0x1BF5;
	[smem:$0x3FBB] =	sst s0  }
0x18: {  	s0 =	sld [smem:$0x3F9E];
	_ =	swait.ge [sflag:s4], $0x0  }
0x19: {  	s7 =	sld [smem:$0x3F9F]  }
0x1a: {  	s8 =	sadd.s32 $0xFFFFE003, lr  }
0x1b: {  	s9 =	sadd.s32 $0xFFFFFEF7, lr;
	s5 =	simm.s32 $0xFFFFFFFF;
	p2 =	slt.u32 s8, $0xFFFFF086  }
0x1c: {  	p1 =	slt.u32 s9, $0xF7A;
	s5 =	simm.s32 @!p2 $0x0  }
0x1d: {  	s5 =	simm.s32 @p1 $0x1;
	p0 =	seq.s32 s7, s2  }
0x1e: {  	s7 =	smul.u32 @!p0 $0xF7A, s2;
	p2 =	seq.s32 @!p0 s5, $0x0  }
0x1f: {  	s9 =	smul.u32 $0xF7A, s1;
	s8 =	simm.s32 @!p0 $0x1BF5;
	p2 =	por !p2, p0  }
0x20: {  	[sflag:s8] =	ssyncset.s32 @!p0 $0xFFFFF086;
	s6 =	sadd.s32 @!p0 s3, s7;
	s7 =	simm.s32 @!p0 $0x108  }
0x21: {  	s3 =	sadd.s32 s3, s9;
	s6 =	sadd.s32 @!p0 $0x88, s6;
	s7 =	simm.s32 @p2 $0x1082  }
0x22: {  	[simem:s7], [sflag:s8] =	dma.local @!p0 [hbm:s6], $0xF7A  }
0x23: {  	s9 =	sor.u32 $0xD0000000, s2;
	s6 =	simm.s32 $0x108;
	_ =	swait.ge @!p0 [sflag:s8], $0x0  }
0x24: {  	s3 =	sadd.s32 $0x88, s3;
	s6 =	simm.s32 @!p1 $0x1082;
	[sflag:s4] =	ssyncset.s32 $0xFFFFF086  }
0x25: {  	[simem:s6], [sflag:s4] =	dma.local [hbm:s3], $0xF7A  }
0x26: {  	[smem:$0x3F9F] =	sst s1;
	(tag) =	ssettag s2;
	_ =	strace s9  }
0x27: {  	s1 =	sld [smem:$0x3FAF]  }
0x28: {  	s2 =	sld [smem:$0x3FB0]  }
0x29: {  	s4 =	sld [smem:$0x3FB2]  }
0x2a: {  	p0 =	seq.s32 s5, $0x0;
	s5 =	sld [smem:$0x3FB3]  }
0x2b: {  	s6 =	sld [smem:$0x3FB4]  }
0x2c: {  	s7 =	sld [smem:$0x3FB5]  }
0x2d: {  	s3 =	simm.s32 $0x108;
	s8 =	sld [smem:$0x3FB6]  }
0x2e: {  	s3 =	simm.s32 @!p0 $0x1082;
	s9 =	sld [smem:$0x3FB7]  }
0x2f: {  	lr =	sadd.s32 s0, s3;
	s0 =	sld [smem:$0x3FAE]  }
0x30: {  	s3 =	sld [smem:$0x3FB1]  }
0x31: {  	[smem:$0x3FBA] =	sst s10  }
0x32: {  	s10 =	sld [smem:$0x3FB8];
	_ =	sdelay $0x3  }
0x33: {  	p0 =	seq.s32 s10, $0x1;
	s10 =	sld [smem:$0x3FBA];
	_ =	sdelay $0x3  }
0x34: {  	[smem:$0x3FBA] =	sst s10  }
0x35: {  	s10 =	sld [smem:$0x3FB9];
	_ =	sdelay $0x3  }
0x36: {  	p1 =	seq.s32 s10, $0x1;
	s10 =	sld [smem:$0x3FBA];
	_ =	sdelay $0x3  }
0x37: {  	[smem:$0x3FBA] =	sst s10  }
0x38: {  	s10 =	sld [smem:$0x3FBB]  }
0x39: {  	_ = 	snop;
	(pc) =	sbr.ind lr, $3  }
0x3a: {  	_ = 	snop  }
0x3b: {  	_ = 	snop  }
0x3c: {  	p2 =	seq.s32 s10, $0x1;
	s10 =	sld [smem:$0x3FBA]  }
0x3d: {  	_ =	shalt  }
0x3e: {  	_ =	shalt  }
0x3f: {  	_ =	shalt  }
0x40: {  	_ =	shalt  }
0x41: {  	_ =	shalt  }
0x42: {  	_ =	shalt  }
0x43: {  	_ =	shalt  }
0x44: {  	_ =	shalt  }
0x45: {  	_ =	shalt  }
0x46: {  	_ =	shalt  }
0x47: {  	_ =	shalt  }
0x48: {  	_ =	shalt  }
0x49: {  	_ =	shalt  }
0x4a: {  	_ =	shalt  }
0x4b: {  	_ =	shalt  }
0x4c: {  	_ =	shalt  }
0x4d: {  	_ =	shalt  }
0x4e: {  	_ =	shalt  }
0x4f: {  	_ =	shalt  }
0x50: {  	_ =	shalt  }
0x51: {  	_ =	shalt  }
0x52: {  	_ =	shalt  }
0x53: {  	_ =	shalt  }
0x54: {  	_ =	shalt  }
0x55: {  	_ =	shalt  }
0x56: {  	_ =	shalt  }
0x57: {  	_ =	shalt  }
0x58: {  	_ =	shalt  }
0x59: {  	_ =	shalt  }
0x5a: {  	_ =	shalt  }
0x5b: {  	_ =	shalt  }
0x5c: {  	_ =	shalt  }
0x5d: {  	_ =	shalt  }
0x5e: {  	_ =	shalt  }
0x5f: {  	_ =	shalt  }
0x60: {  	_ =	shalt  }
0x61: {  	_ =	shalt  }
0x62: {  	_ =	shalt  }
0x63: {  	_ =	shalt  }
0x64: {  	_ =	shalt  }
0x65: {  	_ =	shalt  }
0x66: {  	_ =	shalt  }
0x67: {  	_ =	shalt  }
0x68: {  	_ =	shalt  }
0x69: {  	_ =	shalt  }
0x6a: {  	_ =	shalt  }
0x6b: {  	_ =	shalt  }
0x6c: {  	_ =	shalt  }
0x6d: {  	_ =	shalt  }
0x6e: {  	_ =	shalt  }
0x6f: {  	_ =	shalt  }
0x70: {  	_ =	shalt  }
0x71: {  	_ =	shalt  }
0x72: {  	_ =	shalt  }
0x73: {  	_ =	shalt  }
0x74: {  	_ =	shalt  }
0x75: {  	_ =	shalt  }
0x76: {  	_ =	shalt  }
0x77: {  	_ =	shalt  }
0x78: {  	_ =	shalt  }
0x79: {  	_ =	shalt  }
0x7a: {  	_ =	shalt  }
0x7b: {  	_ =	shalt  }
0x7c: {  	_ =	shalt  }
0x7d: {  	_ =	shalt  }
0x7e: {  	_ =	shalt  }
0x7f: {  	_ =	shalt  }
0x80: {  	_ =	shalt  }
0x81: {  	_ =	shalt  }
0x82: {  	_ =	shalt  }
0x83: {  	_ =	shalt  }
0x84: {  	_ =	shalt  }
0x85: {  	_ =	shalt  }
0x86: {  	_ =	shalt  }
0x87: {  	_ =	shalt  }
.Lfunc_end0:
.L_simem_size_0:
called_computation_lowered:
.L_overlay_start_0:
0x88: {  	s2 =	sld [smem:$0x3FD9]  }
0x89: {  	s3 =	sld [smem:$0x3FFE];
	_ =	sdelay $0x1  }
0x8a: {  	s1 =	srdreg.scid  }
0x8b: {  	s0 =	sand.u32 $0x1, s1  }
0x8c: {  	s17 =	sshll.u32 s0, $0xA;
	s2 =	sadd.s32 s3, s2  }
0x8d: {  	s2 =	sadd.s32 s2, s17  }
0x8e: {  	[smem:$0x3FC6] =	sst s2  }
0x8f: {  	_ = 	snop  }
0x90: {  	s2 =	sld [smem:$0x3FD0];
	(tm) =	ssettm $0x1  }
0x91: {  	s18 =	sld [smem:$0x3FFB];
	_ =	sdelay $0x3  }
0x92: {  	_ =	strace s18  }
0x93: {  	s3 =	sld [smem:$0x3FFC];
	_ =	sdelay $0x3  }
0x94: {  	_ =	strace s3  }
0x95: {  	s3 =	sld [smem:$0x3FFD];
	_ =	sdelay $0x3  }
0x96: {  	_ =	strace s3  }
0x97: {  	_ =	strace $0x8FFFFFFF  }
0x98: {  	s19 =	sld [smem:$0x3FDB];
	_ =	sdelay $0x1  }
0x99: {  	s4 =	simm.s32 $_scs_section_size  }
0x9a: {  	s5 =	simm.s32 $_size__tile_overlayer_lowered;
	s6 =	simm.s32 $_tile_overlayer_lowered  }
0x9b: {  	s22 =	simm.s32 $0x1BFF;
	s21 =	sshll.u32 s6, $0x1;
	s3 =	sadd.s32 s4, s19  }
0x9c: {  	s7 =	simm.s32 $0x0;
	s20 =	sshll.u32 s5, $0x1;
	s5 =	sadd.s32 s21, s3  }
0x9d: {  	[timem:s7], [sflag:s22] =	dma.local [hbm:s5], s20  }
0x9e: {  	_ =	swait.ge [sflag:s22], s20  }
0x9f: {  	s4 =	ssub.s32 $0x0, s20;
	[sflag:s22] =	ssyncset.done $0x0  }
0xa0: {  	[sflag:s22] =	ssyncadd.s32 s4;
	_ =	sdelay $0x1  }
0xa1: {  	s23 =	simm.s32 $0x1B8B  }
0xa2: {  	_ =	swait.ge [sflag:s23], $0x1  }
0xa3: {  	[sflag:s23] =	ssyncset.done $0x0  }
0xa4: {  	s25 =	simm.s32 $0x1B8E;
	s24 =	sld [smem:$0x3FFE];
	[sflag:s23] =	ssyncadd.s32 $0xFFFFFFFF  }
0xa5: {  	s26 =	simm.s32 $execute0_lowered;
	[smem:$0x3FD2] =	sst s25  }
0xa6: {  	s5 =	sshll.u32 s26, $0x1;
	_ =	strace $0x80000046;
	[dreg:$0x1] =	wrdreg $0xFFFFFFFF  }
0xa7: {  	s28 =	simm.s32 $_size_execute0_lowered;
	s3 =	sadd.s32 s3, s5;
	[dreg:$0x0] =	wrdreg $0x0  }
0xa8: {  	s5 =	sshll.u32 s28, $0x1;
	[dreg:$0x2] =	wrdreg s3  }
0xa9: {  	[dreg:$0x3] =	wrdreg s5  }
0xaa: {  	[dreg:$0x4] =	wrdreg $0xC0  }
0xab: {  	_ =	task [dreg:s7], $0x5FFFF  }
0xac: {  	[dreg:$0x1] =	wrdreg $0xFFFFFFFF  }
0xad: {  	[dreg:$0x0] =	wrdreg $0x60  }
0xae: {  	[dreg:$0x2] =	wrdreg s2  }
0xaf: {  	[dreg:$0x3] =	wrdreg s24  }
0xb0: {  	[dreg:$0x4] =	wrdreg $0x9  }
0xb1: {  	_ =	task.clear_ibuf [dreg:s7], $0x5FFFF;
	_ =	strace $0x90000046  }
0xb2: {  	s29 =	simm.s32 $0x9;
	_ =	strace $0x80000048  }
0xb3: {  	_ =	swait.ge [sflag:s29], $0x1  }
0xb4: {  	[sflag:s29] =	ssyncadd.s32 $0xFFFFFFFF  }
0xb5: {  	_ =	strace $0x90000048  }
0xb6: {  	_ =	sfence  }
0xb7: {  	s30 =	sld [smem:$0x0];
	_ =	sdelay $0x2  }
0xb8: {  	s31 =	sshll.u32 s1, $0xD;
	s1 =	sshrl.u32 s1, $0x2  }
0xb9: {  	s3 =	sand.u32 $0x4000, s31;
	s1 =	sadd.s32 s1, s30  }
0xba: {  	s0 =	sor.u32 s3, s0;
	s1 =	sshll.u32 s1, $0x11  }
0xbb: {  	s0 =	sor.u32 s1, s0  }
0xbc: {  	s0 =	sadd.s32 $0x8F2B, s0  }
0xbd: {  	[sflag:s0] =	ssyncadd.remote.s32 $0x1  }
0xbe: {  	_ =	sfence.sel $0xFFFF  }
0xbf: {  	[dreg:$0x0] =	wrdreg $0xFFFFFFFF;
	(pc) =	sbr.abs _section_cstart, $3  }
0xc0: {  	[dreg:$0x1] =	wrdreg $0xFFFFFFFF  }
0xc1: {  	_ =	task.clear_ibuf [dreg:s7], $0x2FFFF;
	_ =	strace $0x9FFFFFFF  }
0xc2: {  	(tm) =	ssettm $0x7FFFFFFF  }
0xc3: {  	_ =	shalt  }
tec
execute0_lowered:
.L_overlay_start_1:
0x0: {  	(tag) =	ssettag $0x1  }
0x1: {  	s1 =	rddreg [dreg:$0x0]  }
0x2: {  	s0 =	rddreg [dreg:$0x1];
	s3 =	simm.s32 $0x0  }
0x3: {  	s2 =	srdreg.scid;
	s5 =	stileid.u32;
	s28 =	simm.s32 $0x1  }
0x4: {  	s29 =	simm.s32 $0x1BD80;
	s30 =	simm.s32 $0x1C180;
	s31 =	simm.s32 $0x1C580  }
0x5: {  	[smem:$0x7FF] =	sst s3;
	s4 =	sadd.s32 $0x600, s0;
	s2 =	sand.u32 $0x1, s2  }
0x6: {  	s14 =	sshll.u32 s5, $0x1;
	s5 =	sshrl.u32 s5, $0x1;
	s16 =	sadd.s32 $0x178D, s0  }
0x7: {  	s23 =	sadd.s32 $0x80, s1;
	_ =	strace $0x80000047;
	[dreg:$0x3] =	wrdreg s4  }
0x8: {  	s6 =	ssub.s32 $0x2, s2;
	s4 =	sand.u32 $0x2, s14;
	s15 =	smul.u32 $0xC0000, s5  }
0x9: {  	s5 =	sadd.s32 $0x3C00, s0;
	[dreg:$0x4] =	wrdreg s16;
	s2 =	sor.u32 s2, s4  }
0xa: {  	s0 =	sadd.s32 $0x291A, s0;
	s7 =	sshrl.u32 s6, $0x1;
	s2 =	sshll.u32 s2, $0x10  }
0xb: {  	[dreg:$0x5] =	wrdreg s0;
	s6 =	ssub.s32 s6, s7;
	s8 =	sor.u32 s15, s2  }
0xc: {  	s26 =	smax.u32 s6, $0x1;
	s2 =	simm.s32 $0x1C980;
	s6 =	simm.s32 $0x0  }
0xd: {  	s9 =	sadd.s32 $0x40000, s8;
	s10 =	sadd.s32 $0x80000, s8;
	s17 =	sshrl.u32 s8, $0x3  }
0xe: {  	[dreg:$0xc] =	wrdreg s26;
	s26 =	simm.s32 $0x1B980;
	s18 =	sadd.s32 s1, s17  }
0xf: {  	s19 =	sshrl.u32 s9, $0x3;
	s0 =	sadd.s32 s17, s23;
	[dreg:$0x6] =	wrdreg s18  }
0x10: {  	s20 =	sshrl.u32 s10, $0x3;
	s21 =	sadd.s32 s1, s19;
	[dreg:$0x9] =	wrdreg s0  }
.Ltmp0:
0x11: {  	s22 =	sadd.s32 s1, s20;
	[dreg:$0x7] =	wrdreg s21;
	(pc) =	sbr.rel .LBB2_1-.Ltmp0, $4  }
0x12: {  	s24 =	sadd.s32 s19, s23;
	s25 =	sadd.s32 s20, s23;
	[dreg:$0x8] =	wrdreg s22  }
0x13: {  	s19 =	simm.s32 $0x8C80;
	s20 =	simm.s32 $0x11900;
	[dreg:$0xa] =	wrdreg s24  }
0x14: {  	s0 =	simm.s32 $0x2;
	[dreg:$0xb] =	wrdreg s25;
	s24 =	simm.s32 $0x1B180  }
0x15: {  	s25 =	simm.s32 $0x1B580;
	s21 =	simm.s32 $0x1CD80;
	s22 =	simm.s32 $0x1D180  }
.LBB2_8:
0x16: {  	s4 =	simm.s32 $0x3  }
0x17: {  	_ =	swait.ge [sflag:s4], $0x400  }
0x18: {  	[sflag:s4] =	ssyncset.done $0x0  }
0x19: {  	[sflag:s4] =	ssyncadd.s32 $0xFFFFFC00  }
0x1a: {  	_ =	swait.ge [sflag:s4], $0x400  }
0x1b: {  	[sflag:s4] =	ssyncset.done $0x0  }
0x1c: {  	[sflag:s4] =	ssyncadd.s32 $0xFFFFFC00  }
0x1d: {  	_ =	swait.ge [sflag:s4], $0x400  }
0x1e: {  	[sflag:s4] =	ssyncset.done $0x0  }
0x1f: {  	s7 =	simm.s32 $0x4;
	[sflag:s4] =	ssyncadd.s32 $0xFFFFFC00  }
0x20: {  	_ =	swait.ge [sflag:s7], $0x400  }
0x21: {  	[sflag:s7] =	ssyncset.done $0x0  }
0x22: {  	[sflag:s7] =	ssyncadd.s32 $0xFFFFFC00  }
0x23: {  	_ =	swait.ge [sflag:s7], $0x400  }
0x24: {  	[sflag:s7] =	ssyncset.done $0x0  }
0x25: {  	[sflag:s7] =	ssyncadd.s32 $0xFFFFFC00  }
0x26: {  	_ =	swait.ge [sflag:s7], $0x400  }
0x27: {  	s6 =	sadd.s32 $0x1, s6;
	s23 =	rddreg [dreg:$0xc]  }
0x28: {  	p0 =	sne.s32 s6, s23  }
.Ltmp1:
0x29: {  	_ = 	snop;
	(pc) =	sbr.rel @!p0 .LBB2_9-.Ltmp1, $3  }
0x2a: {  	_ =	sdelay $0x1  }
0x2b: {  	[sflag:s7] =	ssyncset.done $0x0  }
0x2c: {  	[sflag:s7] =	ssyncadd.s32 $0xFFFFFC00  }
.LBB2_1:
0x2d: {  	s4 =	rddreg [dreg:$0x3];
	s7 =	simm.s32 $0x5  }
0x2e: {  	[tilespmem:s3], [sflag:$0x5] =	stream.linear.gather [hbm4b:s4+s3], $0x8C68, $0x38;
	[tilespmem:$0x1D580] =	vst v63  }
0x2f: {  	_ =	swait.ge [sflag:s7], $0x8C68  }
0x30: {  	[sflag:s7] =	ssyncset.done $0x0  }
0x31: {  	s18 =	rddreg [dreg:$0x4];
	[sflag:s7] =	ssyncadd.s32 $0xFFFF7398  }
0x32: {  	[tilespmem:s19], [sflag:$0x5] =	stream.linear.gather [hbm4b:s18+s3], $0x8C68, $0x38;
	[tilespmem:$0x1D580] =	vst v63  }
0x33: {  	_ =	swait.ge [sflag:s7], $0x8C68  }
0x34: {  	[sflag:s7] =	ssyncset.done $0x0  }
0x35: {  	s23 =	rddreg [dreg:$0x5];
	[sflag:s7] =	ssyncadd.s32 $0xFFFF7398  }
0x36: {  	[tilespmem:s20], [sflag:$0x5] =	stream.linear.gather [hbm4b:s23+s3], $0x8C68, $0x38;
	[tilespmem:$0x1D580] =	vst v63  }
0x37: {  	_ =	swait.ge [sflag:s7], $0x8C68  }
0x38: {  	[sflag:s7] =	ssyncset.done $0x0  }
0x39: {  	s12 =	simm.s32 $0x1A580;
	s11 =	rddreg [dreg:$0x6];
	[sflag:s7] =	ssyncadd.s32 $0xFFFF7398  }
0x3a: {  	[tilespmem:s12], [sflag:$0x1] =	stream.linear.gather [hbm4b:s11+s3], $0x400, $0x38;
	[tilespmem:$0x1D580] =	vst v63  }
0x3b: {  	s14 =	simm.s32 $0x1A980;
	s13 =	rddreg [dreg:$0x7]  }
0x3c: {  	[tilespmem:s14], [sflag:$0x1] =	stream.linear.gather [hbm4b:s13+s3], $0x400, $0x38;
	[tilespmem:$0x1D580] =	vst v63  }
0x3d: {  	s16 =	simm.s32 $0x1AD80;
	s15 =	rddreg [dreg:$0x8]  }
0x3e: {  	[tilespmem:s16], [sflag:$0x1] =	stream.linear.gather [hbm4b:s15+s3], $0x400, $0x38;
	[tilespmem:$0x1D580] =	vst v63  }
0x3f: {  	s17 =	rddreg [dreg:$0x9]  }
0x40: {  	[tilespmem:s24], [sflag:$0x2] =	stream.linear.gather [hbm4b:s17+s3], $0x400, $0x38;
	[tilespmem:$0x1D580] =	vst v63  }
0x41: {  	s18 =	rddreg [dreg:$0xa]  }
0x42: {  	[tilespmem:s25], [sflag:$0x2] =	stream.linear.gather [hbm4b:s18+s3], $0x400, $0x38;
	[tilespmem:$0x1D580] =	vst v63  }
0x43: {  	s23 =	rddreg [dreg:$0xb];
	s7 =	simm.s32 $0x0  }
0x44: {  	[tilespmem:s26], [sflag:$0x2] =	stream.linear.gather [hbm4b:s23+s3], $0x400, $0x38;
	[tilespmem:$0x1D580] =	vst v63  }
.LBB2_2:
0x45: {  	_ =	swait.ge [sflag:s28], $0x400  }
0x46: {  	[sflag:s28] =	ssyncset.done $0x0  }
0x47: {  	[sflag:s28] =	ssyncadd.s32 $0xFFFFFC00  }
0x48: {  	_ =	swait.ge [sflag:s28], $0x400  }
0x49: {  	[sflag:s28] =	ssyncset.done $0x0  }
0x4a: {  	[sflag:s28] =	ssyncadd.s32 $0xFFFFFC00  }
0x4b: {  	_ =	swait.ge [sflag:s28], $0x400  }
0x4c: {  	p0 =	seq.s32 s7, $0x0;
	[sflag:s28] =	ssyncset.done $0x0  }
0x4d: {  	s4 =	simm.s32 @!p0 $0x3;
	[sflag:s28] =	ssyncadd.s32 $0xFFFFFC00  }
0x4e: {  	_ =	swait.ge @!p0 [sflag:s4], $0x400  }
0x4f: {  	[sflag:s4] =	ssyncset.done @!p0 $0x0  }
0x50: {  	[sflag:s4] =	ssyncadd.s32 @!p0 $0xFFFFFC00  }
0x51: {  	_ =	swait.ge @!p0 [sflag:s4], $0x400  }
0x52: {  	[sflag:s4] =	ssyncset.done @!p0 $0x0  }
0x53: {  	[sflag:s4] =	ssyncadd.s32 @!p0 $0xFFFFFC00  }
0x54: {  	_ =	swait.ge @!p0 [sflag:s4], $0x400  }
0x55: {  	[sflag:s4] =	ssyncset.done @!p0 $0x0  }
0x56: {  	s17 =	simm.s32 $0x1A990;
	[sflag:s4] =	ssyncadd.s32 @!p0 $0xFFFFFC00  }
0x57: {  	v0 =	vld [tilespmem:s17+$0x0]  }
0x58: {  	v1 =	vld [tilespmem:s17+$0x400]  }
0x59: {  	v2 =	vld [tilespmem:s17+$0xFFFFFC00];
	_ =	sdelay $0x2  }
0x5a: {  	v0 =	vmul.f32 $3.200000000e+01, v0  }
0x5b: {  	v1 =	vmul.f32 $3.200000000e+01, v1  }
0x5c: {  	v2 =	vmul.f32 $3.200000000e+01, v2;
	v0 =	vmax.f32 v0, $0.0e+00  }
0x5d: {  	v4 =	vld [tilespmem:s17+$0xFFFFFFF0];
	v1 =	vmax.f32 v1, $0.0e+00;
	v0 =	vmin.f32 v0, $3.200000000e+01  }
0x5e: {  	v2 =	vmax.f32 v2, $0.0e+00;
	v1 =	vmin.f32 v1, $3.200000000e+01;
	v3 =	vtrunc.f32 v0  }
0x5f: {  	v7 =	vld [tilespmem:s17+$0xFFFFFBF0];
	v2 =	vmin.f32 v2, $3.200000000e+01;
	v5 =	vtrunc.f32 v1;
	v3 =	vcvt.f32.s32 v3  }
0x60: {  	v6 =	vtrunc.f32 v2;
	v5 =	vcvt.f32.s32 v5  }
0x61: {  	v6 =	vcvt.f32.s32 v6;
	vm0 =	vlt.s32 v3, $0x1F  }
0x62: {  	v4 =	vmul.f32 $3.200000000e+01, v4;
	vm1 =	vlt.s32 v5, $0x1F;
	v3 =	vnsel vm0, $0x1F, v3  }
0x63: {  	v10 =	vld [tilespmem:s17+$0x3F0];
	vm13 =	vlt.s32 v6, $0x1F;
	v5 =	vnsel vm1, $0x1F, v5;
	v8 =	vmul.u32 $0x21, v3  }
0x64: {  	v7 =	vmul.f32 $3.200000000e+01, v7;
	v6 =	vnsel vm13, $0x1F, v6;
	v9 =	vmul.u32 $0x441, v5  }
0x65: {  	v11 =	vcvt.s32.f32 v6;
	v6 =	vadd.s32 v6, v8;
	v8 =	vcvt.s32.f32 v3  }
0x66: {  	v12 =	vmax.f32 v4, $0.0e+00;
	v5 =	vcvt.s32.f32 v5;
	v4 =	vadd.s32 v9, v6  }
0x67: {  	v6 =	vsub.f32 v2, v11;
	v3 =	vadd.s32 $0x21, v4;
	v0 =	vsub.f32 v0, v8  }
0x68: {  	v10 =	vmul.f32 $3.200000000e+01, v10;
	v5 =	vsub.f32 v1, v5;
	v8 =	vmin.f32 v12, $3.200000000e+01  }
0x69: {  	v1 =	vadd.s32 $0x441, v4;
	v9 =	vsub.f32 $1.000000000e+00, v6;
	v11 =	vsub.f32 $1.000000000e+00, v0  }
0x6a: {  	v14 =	vsub.f32 $1.000000000e+00, v5;
	v12 =	vtrunc.f32 v8;
	v16 =	vmul.f32 v0, v6  }
0x6b: {  	v2 =	vadd.s32 $0x462, v4;
	v12 =	vcvt.f32.s32 v12;
	v13 =	vld.idx.msk [tilespmem:v4+s3+$0x0], $0xffff;
	v15 =	vmul.f32 v11, v9  }
0x6c: {  	v0 =	vmul.f32 v9, v0;
	v6 =	vmul.f32 v11, v6;
	v17 =	vld.idx.msk [tilespmem:v3+s3+$0x0], $0xffff  }
0x6d: {  	v11 =	vmul.f32 v14, v16;
	v9 =	vmul.f32 v15, v14  }
0x6e: {  	v7 =	vmax.f32 v7, $0.0e+00;
	v18 =	vld.idx.msk [tilespmem:v1+s3+$0x0], $0xffff;
	v19 =	vmul.f32 v6, v14;
	v14 =	vmul.f32 v14, v0  }
0x6f: {  	v10 =	vmax.f32 v10, $0.0e+00;
	v15 =	vmul.f32 v15, v5;
	v6 =	vmul.f32 v6, v5  }
0x70: {  	v21 =	vpack.i.f32.bf16 v19, v9;
	v22 =	vpack.i.f32.bf16 v11, v14;
	v9 =	vmin.f32 v10, $3.200000000e+01;
	v10 =	vld.idx.msk [tilespmem:v2+s3+$0x0], $0xffff  }
0x71: {  	v7 =	vmin.f32 v7, $3.200000000e+01;
	v11 =	vmul.bf16 v13, v21;
	v13 =	vmul.bf16 v17, v22  }
0x72: {  	v0 =	vmul.f32 v0, v5;
	v5 =	vmul.f32 v16, v5;
	v6 =	vpack.i.f32.bf16 v6, v15  }
0x73: {  	v20 =	vtrunc.f32 v7;
	v11 =	vadd.bf16 v13, v11;
	v13 =	vmul.bf16 v18, v6  }
0x74: {  	vm14 =	vlt.s32 v12, $0x1F;
	v14 =	vcvt.f32.s32 v20;
	v5 =	vpack.i.f32.bf16 v5, v0  }
0x75: {  	v15 =	vtrunc.f32 v9;
	v10 =	vmul.bf16 v10, v5;
	v0 =	vadd.bf16 v13, v11  }
0x76: {  	v12 =	vnsel vm14, $0x1F, v12;
	vm15 =	vlt.s32 v14, $0x1F;
	v11 =	vcvt.f32.s32 v15  }
0x77: {  	v13 =	vnsel vm15, $0x1F, v14;
	v14 =	vcvt.s32.f32 v12;
	v0 =	vadd.bf16 v10, v0  }
0x78: {  	v12 =	vmul.u32 $0x21, v12;
	vm4 =	vlt.s32 v11, $0x1F;
	v10 =	vcvt.s32.f32 v13  }
0x79: {  	v11 =	vnsel vm4, $0x1F, v11;
	v15 =	vunpack.i.u.bf16.f32 v0;
	v0 =	vunpack.i.l.bf16.f32 v0  }
0x7a: {  	v16 =	vmul.u32 $0x441, v11;
	v7 =	vsub.f32 v7, v10;
	v0 =	vadd.f32 v0, v15  }
0x7b: {  	s12 =	simm.s32 $0x1C190;
	v8 =	vsub.f32 v8, v14;
	v10 =	vadd.s32 v13, v12;
	v11 =	vcvt.s32.f32 v11  }
0x7c: {  	v23 =	vadd.s32 v16, v10;
	v10 =	vsub.f32 $1.000000000e+00, v7;
	[tilespmem:s12+$0xFFFFFC00] =	vst v0  }
0x7d: {  	v17 =	vadd.s32 $0x21, v23;
	v0 =	vsub.f32 v9, v11;
	v9 =	vsub.f32 $1.000000000e+00, v8;
	v11 =	vld.idx.msk [tilespmem:v4+s19+$0x0], $0xffff  }
0x7e: {  	v19 =	vadd.s32 $0x441, v23;
	v12 =	vmul.f32 v10, v8;
	v8 =	vmul.f32 v8, v7;
	v13 =	vld.idx.msk [tilespmem:v3+s19+$0x0], $0xffff  }
0x7f: {  	v15 =	vld.idx.msk [tilespmem:v1+s19+$0x0], $0xffff;
	v14 =	vsub.f32 $1.000000000e+00, v0;
	v10 =	vmul.f32 v9, v10;
	v7 =	vmul.f32 v9, v7  }
0x80: {  	v27 =	vld.idx.msk [tilespmem:v2+s19+$0x0], $0xffff;
	v9 =	vadd.s32 $0x462, v23;
	v16 =	vmul.f32 v12, v0;
	v18 =	vmul.f32 v8, v0  }
0x81: {  	v20 =	vld.idx.msk [tilespmem:v23+s3+$0x0], $0xffff;
	v24 =	vmul.f32 v10, v14;
	v25 =	vmul.f32 v7, v14  }
0x82: {  	v12 =	vmul.f32 v14, v12;
	v8 =	vmul.f32 v14, v8;
	v26 =	vld.idx.msk [tilespmem:v17+s3+$0x0], $0xffff  }
0x83: {  	v11 =	vmul.bf16 v11, v21;
	v13 =	vmul.bf16 v13, v22  }
0x84: {  	v29 =	vmul.f32 v10, v0;
	v0 =	vmul.f32 v7, v0;
	v28 =	vld.idx.msk [tilespmem:v19+s3+$0x0], $0xffff;
	v14 =	vpack.i.f32.bf16 v25, v24  }
0x85: {  	v10 =	vpack.i.f32.bf16 v8, v12;
	v12 =	vmul.bf16 v15, v6;
	v7 =	vld.idx.msk [tilespmem:v9+s3+$0x0], $0xffff;
	v8 =	vadd.bf16 v13, v11  }
0x86: {  	s18 =	simm.s32 $0x1A9B0;
	v11 =	vpack.i.f32.bf16 v0, v29;
	v0 =	vpack.i.f32.bf16 v18, v16;
	v13 =	vmul.bf16 v20, v14  }
0x87: {  	v16 =	vld [tilespmem:s18+$0xFFFFFFF0];
	v15 =	vmul.bf16 v26, v10;
	v8 =	vadd.bf16 v12, v8;
	v12 =	vmul.bf16 v27, v5  }
0x88: {  	v20 =	vld [tilespmem:s18+$0xFFFFFC00]  }
0x89: {  	v24 =	vmul.bf16 v28, v11;
	v13 =	vadd.bf16 v15, v13;
	v15 =	vld [tilespmem:s18+$0x0];
	v8 =	vadd.bf16 v12, v8  }
0x8a: {  	v12 =	vld [tilespmem:s18+$0x400];
	v7 =	vmul.bf16 v7, v0  }
0x8b: {  	v13 =	vadd.bf16 v24, v13;
	v18 =	vunpack.i.u.bf16.f32 v8;
	v8 =	vunpack.i.l.bf16.f32 v8  }
0x8c: {  	v8 =	vadd.f32 v8, v18  }
0x8d: {  	v7 =	vadd.bf16 v7, v13  }
0x8e: {  	v13 =	vmul.f32 $3.200000000e+01, v20;
	v15 =	vmul.f32 $3.200000000e+01, v15;
	[tilespmem:s12+$0x0] =	vst v8  }
0x8f: {  	v16 =	vmul.f32 $3.200000000e+01, v16;
	v8 =	vmul.f32 $3.200000000e+01, v12;
	v12 =	vunpack.i.u.bf16.f32 v7;
	v4 =	vld.idx.msk [tilespmem:v4+s20+$0x0], $0xffff  }
0x90: {  	v7 =	vunpack.i.l.bf16.f32 v7;
	v13 =	vmax.f32 v13, $0.0e+00;
	v3 =	vld.idx.msk [tilespmem:v3+s20+$0x0], $0xffff;
	v15 =	vmax.f32 v15, $0.0e+00  }
0x91: {  	v2 =	vld.idx.msk [tilespmem:v2+s20+$0x0], $0xffff;
	v8 =	vmax.f32 v8, $0.0e+00;
	v13 =	vmin.f32 v13, $3.200000000e+01;
	v7 =	vadd.f32 v7, v12  }
0x92: {  	v12 =	vld [tilespmem:s18+$0xFFFFFBF0];
	v18 =	vmin.f32 v15, $3.200000000e+01;
	v8 =	vmin.f32 v8, $3.200000000e+01;
	v15 =	vtrunc.f32 v13  }
0x93: {  	v20 =	vtrunc.f32 v18;
	v24 =	vtrunc.f32 v8  }
0x94: {  	v16 =	vmax.f32 v16, $0.0e+00;
	v15 =	vcvt.f32.s32 v15;
	v20 =	vcvt.f32.s32 v20  }
0x95: {  	v25 =	vmin.f32 v16, $3.200000000e+01;
	v1 =	vld.idx.msk [tilespmem:v1+s20+$0x0], $0xffff;
	v16 =	vcvt.f32.s32 v24;
	v4 =	vmul.bf16 v4, v21  }
0x96: {  	v3 =	vmul.bf16 v3, v22;
	vm7 =	vlt.s32 v15, $0x1F;
	v2 =	vmul.bf16 v2, v5  }
0x97: {  	vm5 =	vlt.s32 v20, $0x1F;
	vm6 =	vlt.s32 v16, $0x1F;
	v5 =	vmul.f32 $3.200000000e+01, v12  }
0x98: {  	v20 =	vnsel vm5, $0x1F, v20;
	v21 =	vnsel vm6, $0x1F, v16;
	v3 =	vadd.bf16 v3, v4  }
0x99: {  	v4 =	vnsel vm7, $0x1F, v15;
	v16 =	vmul.u32 $0x21, v20;
	v20 =	vcvt.s32.f32 v20  }
0x9a: {  	v22 =	vld [tilespmem:s18+$0x3F0];
	v1 =	vmul.bf16 v1, v6;
	v15 =	vmul.u32 $0x441, v21;
	v24 =	vcvt.s32.f32 v4  }
0x9b: {  	v5 =	vmax.f32 v5, $0.0e+00;
	v4 =	vadd.s32 v4, v16;
	v18 =	vsub.f32 v18, v20  }
0x9c: {  	v6 =	vsub.f32 v13, v24;
	v16 =	vadd.s32 v15, v4;
	v4 =	vcvt.s32.f32 v21  }
0x9d: {  	v5 =	vmin.f32 v5, $3.200000000e+01;
	v15 =	vadd.s32 $0x21, v16;
	v20 =	vsub.f32 $1.000000000e+00, v18  }
0x9e: {  	v24 =	vtrunc.f32 v25;
	v4 =	vsub.f32 v8, v4;
	v8 =	vsub.f32 $1.000000000e+00, v6  }
0x9f: {  	v32 =	vtrunc.f32 v5;
	v21 =	vmul.f32 $3.200000000e+01, v22;
	v13 =	vadd.s32 $0x441, v16  }
0xa0: {  	v28 =	vmul.f32 v18, v6;
	v26 =	vsub.f32 $1.000000000e+00, v4;
	v27 =	vmul.f32 v20, v8  }
0xa1: {  	v12 =	vadd.s32 $0x462, v16;
	v6 =	vmul.f32 v20, v6;
	v8 =	vmul.f32 v8, v18;
	v22 =	vld.idx.msk [tilespmem:v16+s3+$0x0], $0xffff  }
0xa2: {  	v1 =	vadd.bf16 v1, v3;
	v3 =	vld.idx.msk [tilespmem:v15+s3+$0x0], $0xffff;
	v18 =	vmul.f32 v27, v26;
	v29 =	vmul.f32 v26, v28  }
0xa3: {  	v20 =	vmul.f32 v6, v26;
	v26 =	vmul.f32 v26, v8  }
0xa4: {  	v31 =	vmax.f32 v21, $0.0e+00;
	v30 =	vld.idx.msk [tilespmem:v13+s3+$0x0], $0xffff;
	v27 =	vmul.f32 v27, v4;
	v6 =	vmul.f32 v6, v4  }
0xa5: {  	v8 =	vmul.f32 v8, v4;
	v4 =	vmul.f32 v28, v4;
	v20 =	vpack.i.f32.bf16 v20, v18  }
0xa6: {  	v33 =	vld.idx.msk [tilespmem:v12+s3+$0x0], $0xffff;
	v21 =	vpack.i.f32.bf16 v29, v26;
	v26 =	vmin.f32 v31, $3.200000000e+01;
	v18 =	vmul.bf16 v22, v20  }
0xa7: {  	v22 =	vpack.i.f32.bf16 v6, v27;
	v6 =	vcvt.f32.s32 v24;
	v3 =	vmul.bf16 v3, v21  }
0xa8: {  	v28 =	vtrunc.f32 v26;
	v27 =	vcvt.f32.s32 v32  }
0xa9: {  	v24 =	vmul.bf16 v30, v22;
	vm8 =	vlt.s32 v6, $0x1F;
	v3 =	vadd.bf16 v3, v18  }
0xaa: {  	vm9 =	vlt.s32 v27, $0x1F;
	v18 =	vpack.i.f32.bf16 v4, v8;
	v6 =	vnsel vm8, $0x1F, v6  }
0xab: {  	v8 =	vcvt.f32.s32 v28;
	v4 =	vmul.bf16 v33, v18;
	v3 =	vadd.bf16 v24, v3  }
0xac: {  	[tilespmem:s12+$0xFFFFFBF0] =	vst v7;
	v24 =	vnsel vm9, $0x1F, v27;
	v27 =	vcvt.s32.f32 v6;
	v6 =	vmul.u32 $0x21, v6  }
0xad: {  	v7 =	vld.idx.msk [tilespmem:v23+s19+$0x0], $0xffff;
	vm10 =	vlt.s32 v8, $0x1F;
	v3 =	vadd.bf16 v4, v3  }
0xae: {  	v8 =	vnsel vm10, $0x1F, v8;
	v4 =	vcvt.s32.f32 v24;
	v6 =	vadd.s32 v24, v6;
	v24 =	vld.idx.msk [tilespmem:v17+s19+$0x0], $0xffff  }
0xaf: {  	v25 =	vsub.f32 v25, v27;
	v28 =	vunpack.i.u.bf16.f32 v3;
	v3 =	vunpack.i.l.bf16.f32 v3  }
0xb0: {  	v5 =	vsub.f32 v5, v4;
	v4 =	vmul.u32 $0x441, v8;
	v8 =	vcvt.s32.f32 v8  }
0xb1: {  	v27 =	vadd.bf16 v2, v1;
	v3 =	vadd.f32 v3, v28  }
0xb2: {  	s13 =	simm.s32 $0x1C1B0;
	v41 =	vld.idx.msk [tilespmem:v9+s19+$0x0], $0xffff;
	v2 =	vadd.s32 v4, v6;
	v1 =	vsub.f32 $1.000000000e+00, v5;
	v6 =	vsub.f32 v26, v8  }
0xb3: {  	v28 =	vld.idx.msk [tilespmem:v19+s19+$0x0], $0xffff;
	v8 =	vsub.f32 $1.000000000e+00, v25;
	v26 =	vmul.bf16 v7, v14;
	[tilespmem:s13+$0xFFFFFC00] =	vst v3;
	v24 =	vmul.bf16 v24, v10  }
0xb4: {  	v3 =	vadd.s32 $0x21, v2;
	v7 =	vld.idx.msk [tilespmem:v16+s19+$0x0], $0xffff;
	v29 =	vmul.f32 v1, v25;
	v25 =	vmul.f32 v25, v5  }
0xb5: {  	v30 =	vld.idx.msk [tilespmem:v15+s19+$0x0], $0xffff;
	v31 =	vsub.f32 $1.000000000e+00, v6;
	v1 =	vmul.f32 v8, v1;
	v8 =	vmul.f32 v8, v5  }
0xb6: {  	v4 =	vadd.s32 $0x441, v2;
	v59 =	vld.idx.msk [tilespmem:v13+s19+$0x0], $0xffff;
	v58 =	vmul.f32 v29, v6;
	v34 =	vmul.f32 v25, v6  }
0xb7: {  	v5 =	vadd.s32 $0x462, v2;
	v38 =	vld.idx.msk [tilespmem:v12+s19+$0x0], $0xffff;
	v35 =	vmul.f32 v1, v31;
	v37 =	vmul.f32 v8, v31  }
0xb8: {  	v29 =	vmul.f32 v31, v29;
	v25 =	vmul.f32 v31, v25;
	v36 =	vld.idx.msk [tilespmem:v2+s3+$0x0], $0xffff  }
0xb9: {  	v31 =	vmul.f32 v1, v6;
	v8 =	vmul.f32 v8, v6;
	v40 =	vld.idx.msk [tilespmem:v3+s3+$0x0], $0xffff  }
0xba: {  	v24 =	vadd.bf16 v24, v26;
	v60 =	vmul.bf16 v7, v20;
	v30 =	vmul.bf16 v30, v21  }
0xbb: {  	v28 =	vmul.bf16 v28, v11;
	v6 =	vpack.i.f32.bf16 v37, v35;
	v61 =	vld.idx.msk [tilespmem:v4+s3+$0x0], $0xffff;
	v8 =	vpack.i.f32.bf16 v8, v31  }
0xbc: {  	v7 =	vpack.i.f32.bf16 v25, v29;
	v25 =	vld.idx.msk [tilespmem:v5+s3+$0x0], $0xffff;
	v29 =	vadd.bf16 v30, v60;
	v30 =	vmul.bf16 v59, v22  }
0xbd: {  	s23 =	simm.s32 $0x1A9D0;
	v31 =	vmul.bf16 v41, v0;
	v24 =	vadd.bf16 v28, v24;
	v62 =	vmul.bf16 v36, v6  }
0xbe: {  	v28 =	vld [tilespmem:s23+$0xFFFFFC00];
	v26 =	vadd.bf16 v30, v29;
	v29 =	vmul.bf16 v38, v18;
	v30 =	vmul.bf16 v40, v7  }
0xbf: {  	v1 =	vpack.i.f32.bf16 v34, v58;
	v24 =	vadd.bf16 v31, v24;
	v31 =	vld [tilespmem:s23+$0x0]  }
0xc0: {  	v63 =	vmul.bf16 v61, v8;
	v26 =	vadd.bf16 v29, v26;
	v29 =	vld [tilespmem:s23+$0x400];
	v30 =	vadd.bf16 v30, v62  }
0xc1: {  	v39 =	vunpack.i.u.bf16.f32 v27;
	v27 =	vunpack.i.l.bf16.f32 v27;
	v38 =	vld [tilespmem:s23+$0xFFFFFFF0];
	v25 =	vmul.bf16 v25, v1  }
0xc2: {  	v36 =	vunpack.i.u.bf16.f32 v26;
	v37 =	vunpack.i.l.bf16.f32 v26;
	v30 =	vadd.bf16 v63, v30  }
0xc3: {  	v26 =	vadd.f32 v27, v39;
	v27 =	vadd.f32 v37, v36  }
0xc4: {  	v25 =	vadd.bf16 v25, v30  }
0xc5: {  	v39 =	vunpack.i.u.bf16.f32 v24;
	[tilespmem:s13+$0x0] =	vst v27;
	v27 =	vmul.f32 $3.200000000e+01, v28;
	v28 =	vmul.f32 $3.200000000e+01, v29  }
0xc6: {  	v29 =	vmul.f32 $3.200000000e+01, v31;
	v31 =	vmul.f32 $3.200000000e+01, v38;
	v16 =	vld.idx.msk [tilespmem:v16+s20+$0x0], $0xffff;
	v30 =	vunpack.i.u.bf16.f32 v25  }
0xc7: {  	v25 =	vunpack.i.l.bf16.f32 v25;
	v15 =	vld.idx.msk [tilespmem:v15+s20+$0x0], $0xffff;
	v27 =	vmax.f32 v27, $0.0e+00;
	v28 =	vmax.f32 v28, $0.0e+00  }
0xc8: {  	v13 =	vld.idx.msk [tilespmem:v13+s20+$0x0], $0xffff;
	v29 =	vmax.f32 v29, $0.0e+00;
	v31 =	vmax.f32 v31, $0.0e+00;
	v27 =	vmin.f32 v27, $3.200000000e+01  }
0xc9: {  	v12 =	vld.idx.msk [tilespmem:v12+s20+$0x0], $0xffff;
	v28 =	vmin.f32 v28, $3.200000000e+01;
	v29 =	vmin.f32 v29, $3.200000000e+01;
	v40 =	vtrunc.f32 v27  }
0xca: {  	v31 =	vmin.f32 v31, $3.200000000e+01;
	v41 =	vtrunc.f32 v28;
	v42 =	vtrunc.f32 v29  }
0xcb: {  	v25 =	vadd.f32 v25, v30;
	v46 =	vtrunc.f32 v31;
	v32 =	vcvt.f32.s32 v40  }
0xcc: {  	v24 =	vunpack.i.l.bf16.f32 v24;
	v34 =	vcvt.f32.s32 v42;
	v33 =	vcvt.f32.s32 v41  }
0xcd: {  	v24 =	vadd.f32 v24, v39;
	[tilespmem:s13+$0xFFFFFBF0] =	vst v25;
	v16 =	vmul.bf16 v16, v20;
	v15 =	vmul.bf16 v15, v21  }
0xce: {  	v63 =	vld.idx.msk [tilespmem:v3+s19+$0x0], $0xffff;
	v13 =	vmul.bf16 v13, v22;
	v12 =	vmul.bf16 v12, v18;
	vm12 =	vlt.s32 v34, $0x1F  }
0xcf: {  	v21 =	vld [tilespmem:s23+$0xFFFFFBF0];
	vm11 =	vlt.s32 v32, $0x1F;
	vm2 =	vlt.s32 v33, $0x1F;
	v20 =	vnsel vm12, $0x1F, v34  }
0xd0: {  	v15 =	vadd.bf16 v15, v16;
	v16 =	vnsel vm11, $0x1F, v32;
	v22 =	vnsel vm2, $0x1F, v33  }
0xd1: {  	v18 =	vld [tilespmem:s23+$0x3F0];
	v33 =	vcvt.f32.s32 v46;
	v30 =	vmul.u32 $0x21, v20;
	v20 =	vcvt.s32.f32 v20  }
0xd2: {  	v43 =	vmul.u32 $0x441, v22;
	v44 =	vcvt.s32.f32 v16;
	v13 =	vadd.bf16 v13, v15  }
0xd3: {  	[tilespmem:s12+$0x400] =	vst v26;
	v26 =	vmul.bf16 v63, v7;
	v15 =	vadd.s32 v16, v30;
	v20 =	vsub.f32 v29, v20  }
0xd4: {  	v21 =	vmul.f32 $3.200000000e+01, v21;
	v15 =	vadd.s32 v43, v15;
	v30 =	vadd.bf16 v12, v13  }
0xd5: {  	v12 =	vcvt.s32.f32 v22;
	v22 =	vsub.f32 v27, v44;
	v16 =	vadd.s32 $0x21, v15  }
0xd6: {  	v18 =	vmul.f32 $3.200000000e+01, v18;
	v45 =	vsub.f32 $1.000000000e+00, v20;
	v21 =	vmax.f32 v21, $0.0e+00  }
0xd7: {  	v28 =	vsub.f32 v28, v12;
	v12 =	vadd.s32 $0x441, v15;
	v29 =	vsub.f32 $1.000000000e+00, v22  }
0xd8: {  	v13 =	vadd.s32 $0x462, v15;
	v50 =	vmul.f32 v20, v22;
	v53 =	vmin.f32 v21, $3.200000000e+01  }
0xd9: {  	v22 =	vmul.f32 v45, v22;
	v48 =	vsub.f32 $1.000000000e+00, v28;
	v49 =	vmul.f32 v45, v29;
	v47 =	vld.idx.msk [tilespmem:v15+s3+$0x0], $0xffff  }
0xda: {  	vm14 =	vlt.s32 v33, $0x1F;
	v55 =	vtrunc.f32 v53;
	v20 =	vmul.f32 v29, v20;
	v51 =	vld.idx.msk [tilespmem:v16+s3+$0x0], $0xffff  }
0xdb: {  	v18 =	vmax.f32 v18, $0.0e+00;
	v29 =	vmul.f32 v49, v48;
	v52 =	vmul.f32 v48, v50  }
0xdc: {  	v27 =	vunpack.i.u.bf16.f32 v30;
	v21 =	vmul.f32 v22, v48;
	v35 =	vmul.f32 v48, v20;
	v54 =	vld.idx.msk [tilespmem:v12+s3+$0x0], $0xffff  }
0xdd: {  	v30 =	vunpack.i.l.bf16.f32 v30;
	v58 =	vcvt.f32.s32 v55;
	v43 =	vmul.f32 v22, v28  }
0xde: {  	v36 =	vmul.f32 v49, v28;
	v42 =	vld.idx.msk [tilespmem:v13+s3+$0x0], $0xffff;
	v21 =	vpack.i.f32.bf16 v21, v29;
	v22 =	vpack.i.f32.bf16 v52, v35  }
0xdf: {  	v29 =	vmin.f32 v18, $3.200000000e+01;
	v18 =	vmul.bf16 v47, v21;
	v32 =	vmul.bf16 v51, v22  }
0xe0: {  	v56 =	vmul.f32 v20, v28;
	v28 =	vmul.f32 v50, v28;
	v20 =	vpack.i.f32.bf16 v43, v36  }
0xe1: {  	[tilespmem:s12+$0xFFFFFFF0] =	vst v24;
	vm13 =	vlt.s32 v58, $0x1F;
	v57 =	vmul.bf16 v54, v20;
	v32 =	vadd.bf16 v32, v18  }
0xe2: {  	v35 =	vld.idx.msk [tilespmem:v23+s20+$0x0], $0xffff;
	v23 =	vnsel vm14, $0x1F, v33;
	v59 =	vtrunc.f32 v29;
	v18 =	vpack.i.f32.bf16 v28, v56  }
0xe3: {  	v24 =	vcvt.f32.s32 v59;
	v60 =	vmul.bf16 v42, v18;
	v28 =	vadd.bf16 v57, v32  }
0xe4: {  	v62 =	vld.idx.msk [tilespmem:v2+s19+$0x0], $0xffff;
	v61 =	vnsel vm13, $0x1F, v58;
	v33 =	vcvt.s32.f32 v23;
	v23 =	vmul.u32 $0x21, v23  }
0xe5: {  	vm15 =	vlt.s32 v24, $0x1F;
	v25 =	vadd.bf16 v60, v28;
	v28 =	vcvt.s32.f32 v61  }
0xe6: {  	v38 =	vld.idx.msk [tilespmem:v17+s20+$0x0], $0xffff;
	v27 =	vadd.f32 v30, v27;
	v23 =	vadd.s32 v61, v23;
	v17 =	vnsel vm15, $0x1F, v24  }
0xe7: {  	v40 =	vld.idx.msk [tilespmem:v19+s20+$0x0], $0xffff;
	v24 =	vunpack.i.u.bf16.f32 v25;
	v28 =	vsub.f32 v53, v28;
	v19 =	vunpack.i.l.bf16.f32 v25  }
0xe8: {  	v25 =	vsub.f32 v31, v33;
	v31 =	vcvt.s32.f32 v17;
	v19 =	vadd.f32 v19, v24  }
0xe9: {  	s14 =	simm.s32 $0x1C1D0;
	v54 =	vmul.bf16 v62, v6;
	v17 =	vmul.u32 $0x441, v17;
	v52 =	vsub.f32 $1.000000000e+00, v28  }
0xea: {  	v58 =	vld.idx.msk [tilespmem:v5+s19+$0x0], $0xffff;
	v14 =	vmul.bf16 v35, v14;
	v29 =	vsub.f32 v29, v31;
	v31 =	vsub.f32 $1.000000000e+00, v25;
	[tilespmem:s14+$0xFFFFFC00] =	vst v19  }
0xeb: {  	v24 =	vadd.s32 v17, v23;
	v19 =	vmul.f32 v25, v28;
	v17 =	vmul.f32 v52, v25;
	v55 =	vld.idx.msk [tilespmem:v15+s19+$0x0], $0xffff  }
0xec: {  	v56 =	vsub.f32 $1.000000000e+00, v29;
	v33 =	vmul.f32 v31, v52;
	v25 =	vadd.s32 $0x21, v24;
	v57 =	vld.idx.msk [tilespmem:v16+s19+$0x0], $0xffff  }
0xed: {  	v53 =	vld.idx.msk [tilespmem:v4+s19+$0x0], $0xffff;
	v23 =	vadd.s32 $0x441, v24;
	v31 =	vmul.f32 v31, v28;
	v30 =	vmul.f32 v19, v29  }
0xee: {  	v44 =	vld.idx.msk [tilespmem:v12+s19+$0x0], $0xffff;
	v28 =	vmul.f32 v17, v29;
	v39 =	vmul.f32 v56, v19;
	v19 =	vadd.s32 $0x462, v24  }
0xef: {  	v48 =	vld.idx.msk [tilespmem:v13+s19+$0x0], $0xffff;
	v59 =	vmul.f32 v33, v56;
	v45 =	vmul.f32 v31, v56  }
0xf0: {  	v47 =	vld.idx.msk [tilespmem:v24+s3+$0x0], $0xffff;
	v28 =	vpack.i.f32.bf16 v30, v28;
	v30 =	vmul.f32 v33, v29;
	v29 =	vmul.f32 v31, v29  }
0xf1: {  	v26 =	vadd.bf16 v26, v54;
	v60 =	vld.idx.msk [tilespmem:v25+s3+$0x0], $0xffff;
	v31 =	vmul.bf16 v55, v21;
	v61 =	vmul.bf16 v57, v22  }
0xf2: {  	v62 =	vmul.bf16 v53, v8;
	v46 =	vmul.f32 v56, v17;
	v17 =	vpack.i.f32.bf16 v45, v59;
	v34 =	vld.idx.msk [tilespmem:v23+s3+$0x0], $0xffff  }
0xf3: {  	v63 =	vmul.bf16 v44, v20;
	v32 =	vpack.i.f32.bf16 v29, v30;
	v29 =	vadd.bf16 v61, v31;
	v35 =	vld.idx.msk [tilespmem:v19+s3+$0x0], $0xffff  }
0xf4: {  	s11 =	sshll.u32 s7, $0xB;
	v33 =	vpack.i.f32.bf16 v39, v46;
	v37 =	vmul.bf16 v48, v18;
	v30 =	vmul.bf16 v58, v1  }
0xf5: {  	s16 =	sor.u32 s9, s11;
	s15 =	sor.u32 s10, s11;
	s4 =	simm.s32 $0x1A9F0;
	v9 =	vld.idx.msk [tilespmem:v9+s20+$0x0], $0xffff;
	v31 =	vmul.bf16 v47, v17;
	v36 =	vadd.bf16 v63, v29;
	v29 =	vmul.bf16 v38, v10  }
0xf6: {  	s17 =	sor.u32 s8, s11;
	s18 =	simm.s32 $0x1C1D0;
	s23 =	simm.s32 $0x4;
	[tilespmem:s13+$0x400] =	vst v27;
	v38 =	vadd.bf16 v62, v26;
	v26 =	vmul.bf16 v40, v11;
	v39 =	vmul.bf16 v60, v33  }
.LBB2_3:
0xf7: {  	v27 =	vld [tilespmem:s4+$0xFFFFFC00];
	v34 =	vmul.bf16 v34, v32;
	v36 =	vadd.bf16 v37, v36;
	v14 =	vadd.bf16 v29, v14;
	v10 =	vmovc v33  }
0xf8: {  	v33 =	vmul.bf16 v35, v28;
	v11 =	vmovc v8;
	v29 =	vld [tilespmem:s4+$0x400];
	v31 =	vadd.bf16 v39, v31;
	v30 =	vadd.bf16 v30, v38  }
0xf9: {  	v8 =	vmovc v32;
	v35 =	vld [tilespmem:s4+$0x0];
	v37 =	vunpack.i.u.bf16.f32 v36;
	v36 =	vunpack.i.l.bf16.f32 v36;
	v14 =	vadd.bf16 v26, v14  }
0xfa: {  	v26 =	vld [tilespmem:s4+$0xFFFFFFF0];
	v31 =	vadd.bf16 v34, v31;
	v32 =	vadd.f32 v36, v37;
	v34 =	vunpack.i.u.bf16.f32 v30  }
0xfb: {  	s23 =	sadd.s32 $0x2, s23;
	v9 =	vmul.bf16 v9, v0;
	v0 =	vmovc v1;
	v1 =	vmov v28;
	v30 =	vunpack.i.l.bf16.f32 v30;
	v36 =	vld [tilespmem:s4+$0xFFFFFBF0]  }
0xfc: {  	p1 =	slt.u32 s23, $0x3E;
	v30 =	vadd.f32 v30, v34;
	v28 =	vld [tilespmem:s4+$0x3F0];
	v31 =	vadd.bf16 v33, v31;
	[tilespmem:s14+$0x0] =	vst v32  }
0xfd: {  	v27 =	vmul.f32 $3.200000000e+01, v27;
	v32 =	vadd.bf16 v9, v14;
	v29 =	vmul.f32 $3.200000000e+01, v29;
	v15 =	vld.idx.msk [tilespmem:v15+s20+$0x0], $0xffff  }
0xfe: {  	v9 =	vmul.f32 $3.200000000e+01, v35;
	v33 =	vunpack.i.u.bf16.f32 v31;
	v31 =	vunpack.i.l.bf16.f32 v31;
	v16 =	vld.idx.msk [tilespmem:v16+s20+$0x0], $0xffff;
	[tilespmem:s13+$0xFFFFFFF0] =	vst v30  }
0xff: {  	v30 =	vmul.f32 $3.200000000e+01, v26;
	v26 =	vmax.f32 v27, $0.0e+00;
	v27 =	vmax.f32 v29, $0.0e+00;
	v14 =	vld.idx.msk [tilespmem:v2+s20+$0x0], $0xffff;
	v2 =	vmovc v24  }
0x100: {  	v34 =	vmin.f32 v26, $3.200000000e+01;
	v9 =	vmax.f32 v9, $0.0e+00;
	v35 =	vmin.f32 v27, $3.200000000e+01;
	v12 =	vld.idx.msk [tilespmem:v12+s20+$0x0], $0xffff  }
0x101: {  	v37 =	vmin.f32 v9, $3.200000000e+01;
	v9 =	vtrunc.f32 v34;
	v27 =	vtrunc.f32 v35;
	v26 =	vld.idx.msk [tilespmem:v3+s20+$0x0], $0xffff;
	v3 =	vmovc v25  }
0x102: {  	v24 =	vmax.f32 v30, $0.0e+00;
	v25 =	vcvt.f32.s32 v9;
	v9 =	vtrunc.f32 v37;
	v13 =	vld.idx.msk [tilespmem:v13+s20+$0x0], $0xffff  }
0x103: {  	v24 =	vmin.f32 v24, $3.200000000e+01;
	v30 =	vcvt.f32.s32 v27;
	v29 =	vcvt.f32.s32 v9;
	v27 =	vld.idx.msk [tilespmem:v4+s20+$0x0], $0xffff;
	v4 =	vmovc v23  }
0x104: {  	v15 =	vmul.bf16 v15, v21;
	v23 =	vadd.f32 v31, v33;
	v16 =	vmul.bf16 v16, v22;
	v9 =	vld.idx.msk [tilespmem:v5+s20+$0x0], $0xffff  }
0x105: {  	vm0 =	vlt.s32 v25, $0x1F;
	vm2 =	vlt.s32 v30, $0x1F;
	v5 =	vmovc v19;
	vm1 =	vlt.s32 v29, $0x1F  }
0x106: {  	v15 =	vadd.bf16 v16, v15;
	v12 =	vmul.bf16 v12, v20;
	v19 =	vnsel vm1, $0x1F, v29;
	[tilespmem:s14+$0xFFFFFBF0] =	vst v23  }
0x107: {  	v16 =	vnsel vm0, $0x1F, v25;
	v20 =	vnsel vm2, $0x1F, v30;
	v21 =	vmul.u32 $0x21, v19;
	v23 =	vld.idx.msk [tilespmem:v2+s19+$0x0], $0xffff  }
0x108: {  	v22 =	vmul.u32 $0x441, v20;
	v12 =	vadd.bf16 v12, v15;
	v13 =	vmul.bf16 v13, v18;
	v29 =	vld.idx.msk [tilespmem:v3+s19+$0x0], $0xffff  }
0x109: {  	v25 =	vcvt.s32.f32 v16;
	v18 =	vmul.f32 $3.200000000e+01, v36;
	v15 =	vadd.s32 v16, v21;
	v30 =	vld.idx.msk [tilespmem:v4+s19+$0x0], $0xffff  }
0x10a: {  	v19 =	vcvt.s32.f32 v19;
	v12 =	vadd.bf16 v13, v12;
	v15 =	vadd.s32 v22, v15;
	v31 =	vld.idx.msk [tilespmem:v5+s19+$0x0], $0xffff  }
0x10b: {  	v21 =	vsub.f32 v34, v25;
	v13 =	vcvt.s32.f32 v20;
	v16 =	vadd.s32 $0x21, v15  }
0x10c: {  	v19 =	vsub.f32 v37, v19;
	v20 =	vunpack.i.u.bf16.f32 v12;
	v22 =	vunpack.i.l.bf16.f32 v12  }
0x10d: {  	v25 =	vsub.f32 v35, v13;
	v12 =	vadd.s32 $0x441, v15;
	v20 =	vadd.f32 v22, v20  }
0x10e: {  	v33 =	vsub.f32 $1.000000000e+00, v19;
	v22 =	vmul.f32 $3.200000000e+01, v28;
	v28 =	vsub.f32 $1.000000000e+00, v21  }
0x10f: {  	v18 =	vmax.f32 v18, $0.0e+00;
	v34 =	vtrunc.f32 v24;
	v13 =	vadd.s32 $0x462, v15;
	v35 =	vld.idx.msk [tilespmem:v15+s3+$0x0], $0xffff;
	[tilespmem:s14+$0x400] =	vst v20  }
0x110: {  	v37 =	vmul.f32 v19, v21;
	v36 =	vmul.f32 v33, v28;
	v20 =	vsub.f32 $1.000000000e+00, v25;
	v38 =	vld.idx.msk [tilespmem:v16+s3+$0x0], $0xffff  }
0x111: {  	v39 =	vmin.f32 v18, $3.200000000e+01;
	v18 =	vmul.f32 v33, v21;
	v19 =	vmul.f32 v28, v19  }
0x112: {  	v21 =	vmax.f32 v22, $0.0e+00;
	v22 =	vmul.f32 v36, v20;
	v28 =	vmul.f32 v20, v37;
	v33 =	vld.idx.msk [tilespmem:v12+s3+$0x0], $0xffff  }
0x113: {  	v40 =	vmin.f32 v21, $3.200000000e+01;
	v21 =	vmul.f32 v18, v20;
	v20 =	vmul.f32 v20, v19  }
0x114: {  	v43 =	vunpack.i.u.bf16.f32 v32;
	v41 =	vtrunc.f32 v39;
	v36 =	vmul.f32 v36, v25;
	v42 =	vld.idx.msk [tilespmem:v13+s3+$0x0], $0xffff  }
0x115: {  	v18 =	vmul.f32 v18, v25;
	v21 =	vpack.i.f32.bf16 v21, v22;
	v22 =	vpack.i.f32.bf16 v28, v20  }
0x116: {  	v32 =	vunpack.i.l.bf16.f32 v32;
	v28 =	vmul.bf16 v35, v21;
	v35 =	vmul.bf16 v38, v22  }
0x117: {  	v19 =	vmul.f32 v19, v25;
	v25 =	vmul.f32 v37, v25;
	v20 =	vpack.i.f32.bf16 v18, v36  }
0x118: {  	v34 =	vcvt.f32.s32 v34;
	v28 =	vadd.bf16 v35, v28;
	v33 =	vmul.bf16 v33, v20  }
0x119: {  	v36 =	vtrunc.f32 v40;
	v18 =	vpack.i.f32.bf16 v25, v19;
	v35 =	vcvt.f32.s32 v41  }
0x11a: {  	vm0 =	vlt.s32 v34, $0x1F;
	v19 =	vadd.bf16 v33, v28;
	v25 =	vmul.bf16 v42, v18  }
0x11b: {  	vm1 =	vlt.s32 v35, $0x1F;
	v28 =	vnsel vm0, $0x1F, v34;
	v33 =	vcvt.f32.s32 v36  }
0x11c: {  	v34 =	vnsel vm1, $0x1F, v35;
	v35 =	vcvt.s32.f32 v28;
	v19 =	vadd.bf16 v25, v19  }
0x11d: {  	v28 =	vmul.u32 $0x21, v28;
	vm0 =	vlt.s32 v33, $0x1F;
	v25 =	vcvt.s32.f32 v34  }
0x11e: {  	v33 =	vnsel vm0, $0x1F, v33;
	v36 =	vunpack.i.u.bf16.f32 v19;
	v19 =	vunpack.i.l.bf16.f32 v19  }
0x11f: {  	v37 =	vsub.f32 v39, v25;
	v25 =	vmul.u32 $0x441, v33;
	v19 =	vadd.f32 v19, v36  }
0x120: {  	s14 =	sadd.s32 $0x20, s14;
	v35 =	vsub.f32 v24, v35;
	v24 =	vadd.s32 v34, v28;
	v33 =	vcvt.s32.f32 v33  }
0x121: {  	v36 =	vmul.bf16 v23, v17;
	v24 =	vadd.s32 v25, v24;
	v28 =	vsub.f32 $1.000000000e+00, v37;
	[tilespmem:s14+$0xFFFFFC00] =	vst v19  }
0x122: {  	v33 =	vsub.f32 v40, v33;
	v25 =	vadd.s32 $0x21, v24;
	v19 =	vsub.f32 $1.000000000e+00, v35;
	v38 =	vld.idx.msk [tilespmem:v15+s19+$0x0], $0xffff  }
0x123: {  	v23 =	vadd.s32 $0x441, v24;
	v34 =	vmul.f32 v28, v35;
	v35 =	vmul.f32 v35, v37;
	v39 =	vld.idx.msk [tilespmem:v16+s19+$0x0], $0xffff  }
0x124: {  	v40 =	vsub.f32 $1.000000000e+00, v33;
	v41 =	vmul.f32 v19, v28;
	v37 =	vmul.f32 v19, v37  }
0x125: {  	v19 =	vadd.s32 $0x462, v24;
	v28 =	vmul.f32 v34, v33;
	v42 =	vmul.f32 v35, v33;
	v44 =	vld.idx.msk [tilespmem:v12+s19+$0x0], $0xffff  }
0x126: {  	v43 =	vadd.f32 v32, v43;
	v45 =	vmul.f32 v41, v40;
	v46 =	vmul.f32 v37, v40;
	v47 =	vld.idx.msk [tilespmem:v24+s3+$0x0], $0xffff  }
0x127: {  	v32 =	vmul.f32 v40, v34;
	v34 =	vmul.f32 v40, v35;
	v28 =	vpack.i.f32.bf16 v42, v28;
	v40 =	vld.idx.msk [tilespmem:v13+s19+$0x0], $0xffff  }
0x128: {  	v35 =	vmul.f32 v41, v33;
	v37 =	vmul.f32 v37, v33;
	v41 =	vpack.i.f32.bf16 v46, v45;
	v42 =	vld.idx.msk [tilespmem:v25+s3+$0x0], $0xffff  }
0x129: {  	v33 =	vpack.i.f32.bf16 v34, v32;
	v38 =	vmul.bf16 v38, v21;
	v39 =	vmul.bf16 v39, v22;
	v34 =	vld.idx.msk [tilespmem:v23+s3+$0x0], $0xffff  }
.Ltmp2:
0x12a: {  	v29 =	vmul.bf16 v29, v10;
	v32 =	vpack.i.f32.bf16 v37, v35;
	v45 =	vmul.bf16 v30, v8;
	v35 =	vld.idx.msk [tilespmem:v19+s3+$0x0], $0xffff;
	(pc) =	sbr.rel @p1 .LBB2_3-.Ltmp2, $4  }
0x12b: {  	v30 =	vmul.bf16 v31, v1;
	v37 =	vadd.bf16 v39, v38;
	v38 =	vmul.bf16 v44, v20;
	[tilespmem:s12+$0x3F0] =	vst v43;
	s12 =	smov.u32 s13;
	s13 =	smov.u32 s18;
	s18 =	smov.u32 s14  }
0x12c: {  	v14 =	vmul.bf16 v14, v6;
	v6 =	vmovc v17;
	v31 =	vmul.bf16 v47, v41;
	v43 =	vadd.bf16 v29, v36  }
0x12d: {  	v17 =	vmovc v41;
	v29 =	vmul.bf16 v26, v7;
	v36 =	vadd.bf16 v38, v37;
	v37 =	vmul.bf16 v40, v18  }
0x12e: {  	s4 =	sadd.s32 $0x20, s4;
	v26 =	vmul.bf16 v27, v11;
	v7 =	vmovc v10;
	v39 =	vmul.bf16 v42, v33;
	v38 =	vadd.bf16 v45, v43  }
0x12f: {  	_ = 	snop  }
0x130: {  	v10 =	vmul.bf16 v34, v32;
	v11 =	vadd.bf16 v39, v31;
	_ =	sdelay $0x1  }
0x131: {  	v27 =	vmul.bf16 v35, v28;
	v10 =	vadd.bf16 v10, v11;
	_ =	sdelay $0x1  }
0x132: {  	v10 =	vadd.bf16 v27, v10;
	_ =	sdelay $0x1  }
0x133: {  	v11 =	vunpack.i.u.bf16.f32 v10;
	v10 =	vunpack.i.l.bf16.f32 v10  }
0x134: {  	v10 =	vadd.f32 v10, v11;
	_ =	sdelay $0x1  }
0x135: {  	[tilespmem:s14+$0xFFFFFBF0] =	vst v10  }
0x136: {  	v10 =	vld.idx.msk [tilespmem:v24+s19+$0x0], $0xffff  }
0x137: {  	v11 =	vld.idx.msk [tilespmem:v25+s19+$0x0], $0xffff;
	_ =	sdelay $0x1  }
0x138: {  	v27 =	vld.idx.msk [tilespmem:v23+s19+$0x0], $0xffff;
	_ =	sdelay $0x1  }
0x139: {  	v31 =	vadd.bf16 v37, v36;
	v48 =	vld.idx.msk [tilespmem:v19+s19+$0x0], $0xffff  }
0x13a: {  	v10 =	vmul.bf16 v10, v17;
	v11 =	vmul.bf16 v11, v33  }
0x13b: {  	v49 =	vunpack.i.u.bf16.f32 v31  }
0x13c: {  	v31 =	vunpack.i.l.bf16.f32 v31;
	v27 =	vmul.bf16 v27, v32;
	v10 =	vadd.bf16 v11, v10  }
0x13d: {  	v30 =	vadd.bf16 v30, v38;
	v11 =	vadd.f32 v31, v49  }
0x13e: {  	v34 =	vmul.bf16 v48, v28;
	v10 =	vadd.bf16 v27, v10  }
0x13f: {  	v31 =	vunpack.i.u.bf16.f32 v30;
	v30 =	vunpack.i.l.bf16.f32 v30;
	[tilespmem:s14+$0x0] =	vst v11  }
0x140: {  	v11 =	vadd.f32 v30, v31;
	v15 =	vld.idx.msk [tilespmem:v15+s20+$0x0], $0xffff;
	v10 =	vadd.bf16 v34, v10  }
0x141: {  	v16 =	vld.idx.msk [tilespmem:v16+s20+$0x0], $0xffff  }
0x142: {  	v12 =	vld.idx.msk [tilespmem:v12+s20+$0x0], $0xffff;
	[tilespmem:s13+$0xFFFFFFF0] =	vst v11;
	v11 =	vunpack.i.u.bf16.f32 v10;
	v10 =	vunpack.i.l.bf16.f32 v10  }
0x143: {  	v2 =	vld.idx.msk [tilespmem:v2+s20+$0x0], $0xffff;
	v10 =	vadd.f32 v10, v11  }
0x144: {  	v3 =	vld.idx.msk [tilespmem:v3+s20+$0x0], $0xffff  }
0x145: {  	v11 =	vld.idx.msk [tilespmem:v13+s20+$0x0], $0xffff;
	[tilespmem:s18+$0xFFFFFFF0] =	vst v10  }
0x146: {  	v10 =	vld.idx.msk [tilespmem:v24+s20+$0x0], $0xffff  }
0x147: {  	v13 =	vmul.bf16 v15, v21;
	v15 =	vmul.bf16 v16, v22;
	v16 =	vld.idx.msk [tilespmem:v25+s20+$0x0], $0xffff  }
0x148: {  	v4 =	vld.idx.msk [tilespmem:v4+s20+$0x0], $0xffff  }
0x149: {  	v14 =	vadd.bf16 v29, v14;
	v0 =	vmul.bf16 v9, v0;
	v13 =	vadd.bf16 v15, v13;
	v15 =	vld.idx.msk [tilespmem:v23+s20+$0x0], $0xffff  }
0x14a: {  	v5 =	vld.idx.msk [tilespmem:v5+s20+$0x0], $0xffff;
	v12 =	vmul.bf16 v12, v20;
	v2 =	vmul.bf16 v2, v6  }
0x14b: {  	v3 =	vmul.bf16 v3, v7;
	v6 =	vld.idx.msk [tilespmem:v19+s20+$0x0], $0xffff;
	v7 =	vadd.bf16 v26, v14;
	v9 =	vmul.bf16 v11, v18  }
0x14c: {  	v11 =	vadd.bf16 v12, v13;
	v10 =	vmul.bf16 v10, v17;
	v12 =	vmul.bf16 v16, v33  }
0x14d: {  	v4 =	vmul.bf16 v4, v8;
	v2 =	vadd.bf16 v3, v2;
	v0 =	vadd.bf16 v0, v7  }
0x14e: {  	v9 =	vadd.bf16 v9, v11;
	v3 =	vmul.bf16 v15, v32;
	v7 =	vadd.bf16 v12, v10  }
0x14f: {  	v1 =	vmul.bf16 v5, v1;
	v2 =	vadd.bf16 v4, v2  }
0x150: {  	v5 =	vmul.bf16 v6, v28;
	v8 =	vunpack.i.u.bf16.f32 v9;
	v3 =	vadd.bf16 v3, v7  }
0x151: {  	v4 =	vunpack.i.l.bf16.f32 v9;
	v1 =	vadd.bf16 v1, v2;
	v2 =	vunpack.i.u.bf16.f32 v0  }
0x152: {  	v0 =	vunpack.i.l.bf16.f32 v0;
	v4 =	vadd.f32 v4, v8;
	v3 =	vadd.bf16 v5, v3  }
0x153: {  	v0 =	vadd.f32 v0, v2;
	v2 =	vunpack.i.u.bf16.f32 v1;
	v1 =	vunpack.i.l.bf16.f32 v1  }
0x154: {  	[tilespmem:s14+$0x400] =	vst v4;
	v1 =	vadd.f32 v1, v2;
	v2 =	vunpack.i.u.bf16.f32 v3;
	v3 =	vunpack.i.l.bf16.f32 v3  }
0x155: {  	[tilespmem:s12+$0x3F0] =	vst v0;
	v0 =	vadd.f32 v3, v2  }
0x156: {  	s4 =	sshrl.u32 s17, $0x3;
	[tilespmem:s13+$0x3F0] =	vst v1  }
0x157: {  	s4 =	sadd.s32 s5, s4;
	s14 =	sshrl.u32 s16, $0x3;
	[tilespmem:s18+$0x3F0] =	vst v0  }
0x158: {  	[hbm4b:s4+s3] =	stream.linear.scatter [tilespmem:s29], [sflag:$0x3], $0x400, $0x38;
	[tilespmem:$0x1D580] =	vst v63  }
0x159: {  	s15 =	sshrl.u32 s15, $0x3;
	s4 =	sadd.s32 s5, s14  }
0x15a: {  	[hbm4b:s4+s3] =	stream.linear.scatter [tilespmem:s30], [sflag:$0x3], $0x400, $0x38;
	[tilespmem:$0x1D580] =	vst v63  }
0x15b: {  	p1 =	seq.s32 s7, $0x1F;
	s4 =	sadd.s32 s5, s15  }
0x15c: {  	[hbm4b:s4+s3] =	stream.linear.scatter [tilespmem:s31], [sflag:$0x3], $0x400, $0x38;
	[tilespmem:$0x1D580] =	vst v63  }
0x15d: {  	s4 =	sadd.s32 @!p1 $0x800, s11  }
0x15e: {  	s12 =	sadd.s32 @!p1 s8, s4  }
0x15f: {  	s14 =	simm.s32 @!p1 $0x0;
	s12 =	sshrl.u32 @!p1 s12, $0x3  }
0x160: {  	s15 =	simm.s32 @!p1 $0x1A580;
	s13 =	sadd.s32 @!p1 s9, s4;
	s12 =	sadd.s32 @!p1 s1, s12  }
0x161: {  	[tilespmem:s15], [sflag:$0x1] =	stream.linear.gather @!p1 [hbm4b:s12+s14], $0x400, $0x38;
	[tilespmem:$0x1D580] =	vst v63  }
0x162: {  	s4 =	sadd.s32 @!p1 s10, s4;
	s12 =	sshrl.u32 @!p1 s13, $0x3  }
0x163: {  	s4 =	sshrl.u32 @!p1 s4, $0x3;
	s13 =	simm.s32 @!p1 $0x1A980;
	s12 =	sadd.s32 @!p1 s1, s12  }
0x164: {  	[tilespmem:s13], [sflag:$0x1] =	stream.linear.gather @!p1 [hbm4b:s12+s14], $0x400, $0x38;
	[tilespmem:$0x1D580] =	vst v63  }
0x165: {  	s4 =	sadd.s32 @!p1 s1, s4;
	s12 =	simm.s32 @!p1 $0x1AD80  }
0x166: {  	[tilespmem:s12], [sflag:$0x1] =	stream.linear.gather @!p1 [hbm4b:s4+s14], $0x400, $0x38;
	[tilespmem:$0x1D580] =	vst v63  }
0x167: {  	_ =	swait.ge [sflag:s0], $0x400  }
0x168: {  	[sflag:s0] =	ssyncset.done $0x0  }
0x169: {  	[sflag:s0] =	ssyncadd.s32 $0xFFFFFC00  }
0x16a: {  	_ =	swait.ge [sflag:s0], $0x400  }
0x16b: {  	[sflag:s0] =	ssyncset.done $0x0  }
0x16c: {  	[sflag:s0] =	ssyncadd.s32 $0xFFFFFC00  }
0x16d: {  	_ =	swait.ge [sflag:s0], $0x400  }
0x16e: {  	[sflag:s0] =	ssyncset.done $0x0  }
0x16f: {  	s4 =	simm.s32 @!p0 $0x4;
	[sflag:s0] =	ssyncadd.s32 $0xFFFFFC00  }
0x170: {  	_ =	swait.ge @!p0 [sflag:s4], $0x400  }
0x171: {  	[sflag:s4] =	ssyncset.done @!p0 $0x0  }
0x172: {  	[sflag:s4] =	ssyncadd.s32 @!p0 $0xFFFFFC00  }
0x173: {  	_ =	swait.ge @!p0 [sflag:s4], $0x400  }
0x174: {  	[sflag:s4] =	ssyncset.done @!p0 $0x0  }
0x175: {  	[sflag:s4] =	ssyncadd.s32 @!p0 $0xFFFFFC00  }
0x176: {  	_ =	swait.ge @!p0 [sflag:s4], $0x400  }
0x177: {  	[sflag:s4] =	ssyncset.done @!p0 $0x0  }
0x178: {  	s16 =	simm.s32 $0x1B590;
	[sflag:s4] =	ssyncadd.s32 @!p0 $0xFFFFFC00  }
0x179: {  	v0 =	vld [tilespmem:s16+$0x0]  }
0x17a: {  	v1 =	vld [tilespmem:s16+$0x400]  }
0x17b: {  	v2 =	vld [tilespmem:s16+$0xFFFFFC00];
	_ =	sdelay $0x2  }
0x17c: {  	v0 =	vmul.f32 $3.200000000e+01, v0  }
0x17d: {  	v1 =	vmul.f32 $3.200000000e+01, v1  }
0x17e: {  	v2 =	vmul.f32 $3.200000000e+01, v2;
	v0 =	vmax.f32 v0, $0.0e+00  }
0x17f: {  	v4 =	vld [tilespmem:s16+$0xFFFFFFF0];
	v1 =	vmax.f32 v1, $0.0e+00;
	v0 =	vmin.f32 v0, $3.200000000e+01  }
0x180: {  	v2 =	vmax.f32 v2, $0.0e+00;
	v1 =	vmin.f32 v1, $3.200000000e+01;
	v3 =	vtrunc.f32 v0  }
0x181: {  	v7 =	vld [tilespmem:s16+$0xFFFFFBF0];
	v2 =	vmin.f32 v2, $3.200000000e+01;
	v5 =	vtrunc.f32 v1;
	v3 =	vcvt.f32.s32 v3  }
0x182: {  	v6 =	vtrunc.f32 v2;
	v5 =	vcvt.f32.s32 v5  }
0x183: {  	v6 =	vcvt.f32.s32 v6;
	vm0 =	vlt.s32 v3, $0x1F  }
0x184: {  	v4 =	vmul.f32 $3.200000000e+01, v4;
	vm1 =	vlt.s32 v5, $0x1F;
	v3 =	vnsel vm0, $0x1F, v3  }
0x185: {  	v10 =	vld [tilespmem:s16+$0x3F0];
	vm13 =	vlt.s32 v6, $0x1F;
	v5 =	vnsel vm1, $0x1F, v5;
	v8 =	vmul.u32 $0x21, v3  }
0x186: {  	v7 =	vmul.f32 $3.200000000e+01, v7;
	v6 =	vnsel vm13, $0x1F, v6;
	v9 =	vmul.u32 $0x441, v5  }
0x187: {  	v11 =	vcvt.s32.f32 v6;
	v6 =	vadd.s32 v6, v8;
	v8 =	vcvt.s32.f32 v3  }
0x188: {  	v12 =	vmax.f32 v4, $0.0e+00;
	v5 =	vcvt.s32.f32 v5;
	v4 =	vadd.s32 v9, v6  }
0x189: {  	v6 =	vsub.f32 v2, v11;
	v3 =	vadd.s32 $0x21, v4;
	v0 =	vsub.f32 v0, v8  }
0x18a: {  	v10 =	vmul.f32 $3.200000000e+01, v10;
	v5 =	vsub.f32 v1, v5;
	v8 =	vmin.f32 v12, $3.200000000e+01  }
0x18b: {  	v1 =	vadd.s32 $0x441, v4;
	v9 =	vsub.f32 $1.000000000e+00, v6;
	v11 =	vsub.f32 $1.000000000e+00, v0  }
0x18c: {  	v14 =	vsub.f32 $1.000000000e+00, v5;
	v12 =	vtrunc.f32 v8;
	v16 =	vmul.f32 v0, v6  }
0x18d: {  	v2 =	vadd.s32 $0x462, v4;
	v12 =	vcvt.f32.s32 v12;
	v13 =	vld.idx.msk [tilespmem:v4+s3+$0x0], $0xffff;
	v15 =	vmul.f32 v11, v9  }
0x18e: {  	v0 =	vmul.f32 v9, v0;
	v6 =	vmul.f32 v11, v6;
	v17 =	vld.idx.msk [tilespmem:v3+s3+$0x0], $0xffff  }
0x18f: {  	v11 =	vmul.f32 v14, v16;
	v9 =	vmul.f32 v15, v14  }
0x190: {  	v7 =	vmax.f32 v7, $0.0e+00;
	v18 =	vld.idx.msk [tilespmem:v1+s3+$0x0], $0xffff;
	v19 =	vmul.f32 v6, v14;
	v14 =	vmul.f32 v14, v0  }
0x191: {  	v10 =	vmax.f32 v10, $0.0e+00;
	v15 =	vmul.f32 v15, v5;
	v6 =	vmul.f32 v6, v5  }
0x192: {  	v21 =	vpack.i.f32.bf16 v19, v9;
	v22 =	vpack.i.f32.bf16 v11, v14;
	v9 =	vmin.f32 v10, $3.200000000e+01;
	v10 =	vld.idx.msk [tilespmem:v2+s3+$0x0], $0xffff  }
0x193: {  	v7 =	vmin.f32 v7, $3.200000000e+01;
	v11 =	vmul.bf16 v13, v21;
	v13 =	vmul.bf16 v17, v22  }
0x194: {  	v0 =	vmul.f32 v0, v5;
	v5 =	vmul.f32 v16, v5;
	v6 =	vpack.i.f32.bf16 v6, v15  }
0x195: {  	v20 =	vtrunc.f32 v7;
	v11 =	vadd.bf16 v13, v11;
	v13 =	vmul.bf16 v18, v6  }
0x196: {  	vm14 =	vlt.s32 v12, $0x1F;
	v14 =	vcvt.f32.s32 v20;
	v5 =	vpack.i.f32.bf16 v5, v0  }
0x197: {  	v15 =	vtrunc.f32 v9;
	v10 =	vmul.bf16 v10, v5;
	v0 =	vadd.bf16 v13, v11  }
0x198: {  	v12 =	vnsel vm14, $0x1F, v12;
	vm15 =	vlt.s32 v14, $0x1F;
	v11 =	vcvt.f32.s32 v15  }
0x199: {  	v13 =	vnsel vm15, $0x1F, v14;
	v14 =	vcvt.s32.f32 v12;
	v0 =	vadd.bf16 v10, v0  }
0x19a: {  	v12 =	vmul.u32 $0x21, v12;
	vm4 =	vlt.s32 v11, $0x1F;
	v10 =	vcvt.s32.f32 v13  }
0x19b: {  	v11 =	vnsel vm4, $0x1F, v11;
	v15 =	vunpack.i.u.bf16.f32 v0;
	v0 =	vunpack.i.l.bf16.f32 v0  }
0x19c: {  	v16 =	vmul.u32 $0x441, v11;
	v7 =	vsub.f32 v7, v10;
	v0 =	vadd.f32 v0, v15  }
0x19d: {  	s12 =	simm.s32 $0x1CD90;
	v8 =	vsub.f32 v8, v14;
	v10 =	vadd.s32 v13, v12;
	v11 =	vcvt.s32.f32 v11  }
0x19e: {  	v23 =	vadd.s32 v16, v10;
	v10 =	vsub.f32 $1.000000000e+00, v7;
	[tilespmem:s12+$0xFFFFFC00] =	vst v0  }
0x19f: {  	v17 =	vadd.s32 $0x21, v23;
	v0 =	vsub.f32 v9, v11;
	v9 =	vsub.f32 $1.000000000e+00, v8;
	v11 =	vld.idx.msk [tilespmem:v4+s19+$0x0], $0xffff  }
0x1a0: {  	v19 =	vadd.s32 $0x441, v23;
	v12 =	vmul.f32 v10, v8;
	v8 =	vmul.f32 v8, v7;
	v13 =	vld.idx.msk [tilespmem:v3+s19+$0x0], $0xffff  }
0x1a1: {  	v15 =	vld.idx.msk [tilespmem:v1+s19+$0x0], $0xffff;
	v14 =	vsub.f32 $1.000000000e+00, v0;
	v10 =	vmul.f32 v9, v10;
	v7 =	vmul.f32 v9, v7  }
0x1a2: {  	v27 =	vld.idx.msk [tilespmem:v2+s19+$0x0], $0xffff;
	v9 =	vadd.s32 $0x462, v23;
	v16 =	vmul.f32 v12, v0;
	v18 =	vmul.f32 v8, v0  }
0x1a3: {  	v20 =	vld.idx.msk [tilespmem:v23+s3+$0x0], $0xffff;
	v24 =	vmul.f32 v10, v14;
	v25 =	vmul.f32 v7, v14  }
0x1a4: {  	v12 =	vmul.f32 v14, v12;
	v8 =	vmul.f32 v14, v8;
	v26 =	vld.idx.msk [tilespmem:v17+s3+$0x0], $0xffff  }
0x1a5: {  	v11 =	vmul.bf16 v11, v21;
	v13 =	vmul.bf16 v13, v22  }
0x1a6: {  	v29 =	vmul.f32 v10, v0;
	v0 =	vmul.f32 v7, v0;
	v28 =	vld.idx.msk [tilespmem:v19+s3+$0x0], $0xffff;
	v14 =	vpack.i.f32.bf16 v25, v24  }
0x1a7: {  	v10 =	vpack.i.f32.bf16 v8, v12;
	v12 =	vmul.bf16 v15, v6;
	v7 =	vld.idx.msk [tilespmem:v9+s3+$0x0], $0xffff;
	v8 =	vadd.bf16 v13, v11  }
0x1a8: {  	s17 =	simm.s32 $0x1B5B0;
	v11 =	vpack.i.f32.bf16 v0, v29;
	v0 =	vpack.i.f32.bf16 v18, v16;
	v13 =	vmul.bf16 v20, v14  }
0x1a9: {  	v16 =	vld [tilespmem:s17+$0xFFFFFFF0];
	v15 =	vmul.bf16 v26, v10;
	v8 =	vadd.bf16 v12, v8;
	v12 =	vmul.bf16 v27, v5  }
0x1aa: {  	v20 =	vld [tilespmem:s17+$0xFFFFFC00]  }
0x1ab: {  	v24 =	vmul.bf16 v28, v11;
	v13 =	vadd.bf16 v15, v13;
	v15 =	vld [tilespmem:s17+$0x0];
	v8 =	vadd.bf16 v12, v8  }
0x1ac: {  	v12 =	vld [tilespmem:s17+$0x400];
	v7 =	vmul.bf16 v7, v0  }
0x1ad: {  	v13 =	vadd.bf16 v24, v13;
	v18 =	vunpack.i.u.bf16.f32 v8;
	v8 =	vunpack.i.l.bf16.f32 v8  }
0x1ae: {  	v8 =	vadd.f32 v8, v18  }
0x1af: {  	v7 =	vadd.bf16 v7, v13  }
0x1b0: {  	v13 =	vmul.f32 $3.200000000e+01, v20;
	v15 =	vmul.f32 $3.200000000e+01, v15;
	[tilespmem:s12+$0x0] =	vst v8  }
0x1b1: {  	v16 =	vmul.f32 $3.200000000e+01, v16;
	v8 =	vmul.f32 $3.200000000e+01, v12;
	v12 =	vunpack.i.u.bf16.f32 v7;
	v4 =	vld.idx.msk [tilespmem:v4+s20+$0x0], $0xffff  }
0x1b2: {  	v7 =	vunpack.i.l.bf16.f32 v7;
	v13 =	vmax.f32 v13, $0.0e+00;
	v3 =	vld.idx.msk [tilespmem:v3+s20+$0x0], $0xffff;
	v15 =	vmax.f32 v15, $0.0e+00  }
0x1b3: {  	v2 =	vld.idx.msk [tilespmem:v2+s20+$0x0], $0xffff;
	v8 =	vmax.f32 v8, $0.0e+00;
	v13 =	vmin.f32 v13, $3.200000000e+01;
	v7 =	vadd.f32 v7, v12  }
0x1b4: {  	v12 =	vld [tilespmem:s17+$0xFFFFFBF0];
	v18 =	vmin.f32 v15, $3.200000000e+01;
	v8 =	vmin.f32 v8, $3.200000000e+01;
	v15 =	vtrunc.f32 v13  }
0x1b5: {  	v20 =	vtrunc.f32 v18;
	v24 =	vtrunc.f32 v8  }
0x1b6: {  	v16 =	vmax.f32 v16, $0.0e+00;
	v15 =	vcvt.f32.s32 v15;
	v20 =	vcvt.f32.s32 v20  }
0x1b7: {  	v25 =	vmin.f32 v16, $3.200000000e+01;
	v1 =	vld.idx.msk [tilespmem:v1+s20+$0x0], $0xffff;
	v16 =	vcvt.f32.s32 v24;
	v4 =	vmul.bf16 v4, v21  }
0x1b8: {  	v3 =	vmul.bf16 v3, v22;
	vm7 =	vlt.s32 v15, $0x1F;
	v2 =	vmul.bf16 v2, v5  }
0x1b9: {  	vm5 =	vlt.s32 v20, $0x1F;
	vm6 =	vlt.s32 v16, $0x1F;
	v5 =	vmul.f32 $3.200000000e+01, v12  }
0x1ba: {  	v20 =	vnsel vm5, $0x1F, v20;
	v21 =	vnsel vm6, $0x1F, v16;
	v3 =	vadd.bf16 v3, v4  }
0x1bb: {  	v4 =	vnsel vm7, $0x1F, v15;
	v16 =	vmul.u32 $0x21, v20;
	v20 =	vcvt.s32.f32 v20  }
0x1bc: {  	v22 =	vld [tilespmem:s17+$0x3F0];
	v1 =	vmul.bf16 v1, v6;
	v15 =	vmul.u32 $0x441, v21;
	v24 =	vcvt.s32.f32 v4  }
0x1bd: {  	v5 =	vmax.f32 v5, $0.0e+00;
	v4 =	vadd.s32 v4, v16;
	v18 =	vsub.f32 v18, v20  }
0x1be: {  	v6 =	vsub.f32 v13, v24;
	v16 =	vadd.s32 v15, v4;
	v4 =	vcvt.s32.f32 v21  }
0x1bf: {  	v5 =	vmin.f32 v5, $3.200000000e+01;
	v15 =	vadd.s32 $0x21, v16;
	v20 =	vsub.f32 $1.000000000e+00, v18  }
0x1c0: {  	v24 =	vtrunc.f32 v25;
	v4 =	vsub.f32 v8, v4;
	v8 =	vsub.f32 $1.000000000e+00, v6  }
0x1c1: {  	v50 =	vtrunc.f32 v5;
	v21 =	vmul.f32 $3.200000000e+01, v22;
	v13 =	vadd.s32 $0x441, v16  }
0x1c2: {  	v28 =	vmul.f32 v18, v6;
	v26 =	vsub.f32 $1.000000000e+00, v4;
	v27 =	vmul.f32 v20, v8  }
0x1c3: {  	v12 =	vadd.s32 $0x462, v16;
	v6 =	vmul.f32 v20, v6;
	v8 =	vmul.f32 v8, v18;
	v22 =	vld.idx.msk [tilespmem:v16+s3+$0x0], $0xffff  }
0x1c4: {  	v1 =	vadd.bf16 v1, v3;
	v3 =	vld.idx.msk [tilespmem:v15+s3+$0x0], $0xffff;
	v18 =	vmul.f32 v27, v26;
	v29 =	vmul.f32 v26, v28  }
0x1c5: {  	v20 =	vmul.f32 v6, v26;
	v26 =	vmul.f32 v26, v8  }
0x1c6: {  	v31 =	vmax.f32 v21, $0.0e+00;
	v30 =	vld.idx.msk [tilespmem:v13+s3+$0x0], $0xffff;
	v27 =	vmul.f32 v27, v4;
	v6 =	vmul.f32 v6, v4  }
0x1c7: {  	v8 =	vmul.f32 v8, v4;
	v4 =	vmul.f32 v28, v4;
	v20 =	vpack.i.f32.bf16 v20, v18  }
0x1c8: {  	v51 =	vld.idx.msk [tilespmem:v12+s3+$0x0], $0xffff;
	v21 =	vpack.i.f32.bf16 v29, v26;
	v26 =	vmin.f32 v31, $3.200000000e+01;
	v18 =	vmul.bf16 v22, v20  }
0x1c9: {  	v22 =	vpack.i.f32.bf16 v6, v27;
	v6 =	vcvt.f32.s32 v24;
	v3 =	vmul.bf16 v3, v21  }
0x1ca: {  	v28 =	vtrunc.f32 v26;
	v27 =	vcvt.f32.s32 v50  }
0x1cb: {  	v24 =	vmul.bf16 v30, v22;
	vm8 =	vlt.s32 v6, $0x1F;
	v3 =	vadd.bf16 v3, v18  }
0x1cc: {  	vm9 =	vlt.s32 v27, $0x1F;
	v18 =	vpack.i.f32.bf16 v4, v8;
	v6 =	vnsel vm8, $0x1F, v6  }
0x1cd: {  	v8 =	vcvt.f32.s32 v28;
	v4 =	vmul.bf16 v51, v18;
	v3 =	vadd.bf16 v24, v3  }
0x1ce: {  	[tilespmem:s12+$0xFFFFFBF0] =	vst v7;
	v24 =	vnsel vm9, $0x1F, v27;
	v27 =	vcvt.s32.f32 v6;
	v6 =	vmul.u32 $0x21, v6  }
0x1cf: {  	v7 =	vld.idx.msk [tilespmem:v23+s19+$0x0], $0xffff;
	vm10 =	vlt.s32 v8, $0x1F;
	v3 =	vadd.bf16 v4, v3;
	v4 =	vcvt.s32.f32 v24  }
0x1d0: {  	v8 =	vnsel vm10, $0x1F, v8;
	v25 =	vsub.f32 v25, v27;
	v6 =	vadd.s32 v24, v6;
	v24 =	vld.idx.msk [tilespmem:v17+s19+$0x0], $0xffff  }
0x1d1: {  	v28 =	vunpack.i.u.bf16.f32 v3;
	v3 =	vunpack.i.l.bf16.f32 v3;
	v5 =	vsub.f32 v5, v4  }
0x1d2: {  	v4 =	vmul.u32 $0x441, v8;
	v8 =	vcvt.s32.f32 v8;
	v3 =	vadd.f32 v3, v28  }
0x1d3: {  	s13 =	simm.s32 $0x1CDB0;
	v27 =	vadd.bf16 v2, v1;
	v1 =	vsub.f32 $1.000000000e+00, v5  }
0x1d4: {  	v28 =	vld.idx.msk [tilespmem:v19+s19+$0x0], $0xffff;
	v2 =	vadd.s32 v4, v6;
	v6 =	vsub.f32 v26, v8;
	v8 =	vsub.f32 $1.000000000e+00, v25;
	[tilespmem:s13+$0xFFFFFC00] =	vst v3  }
0x1d5: {  	v26 =	vmul.bf16 v7, v14;
	v3 =	vadd.s32 $0x21, v2;
	v24 =	vmul.bf16 v24, v10;
	v7 =	vld.idx.msk [tilespmem:v16+s19+$0x0], $0xffff  }
0x1d6: {  	v4 =	vadd.s32 $0x441, v2;
	v29 =	vmul.f32 v1, v25;
	v25 =	vmul.f32 v25, v5;
	v30 =	vld.idx.msk [tilespmem:v15+s19+$0x0], $0xffff  }
0x1d7: {  	v31 =	vsub.f32 $1.000000000e+00, v6;
	v1 =	vmul.f32 v8, v1;
	v8 =	vmul.f32 v8, v5;
	v53 =	vld.idx.msk [tilespmem:v13+s19+$0x0], $0xffff  }
0x1d8: {  	v5 =	vadd.s32 $0x462, v2;
	v58 =	vld.idx.msk [tilespmem:v12+s19+$0x0], $0xffff;
	v52 =	vmul.f32 v29, v6;
	v54 =	vmul.f32 v25, v6  }
0x1d9: {  	v55 =	vmul.f32 v1, v31;
	v57 =	vmul.f32 v8, v31;
	v56 =	vld.idx.msk [tilespmem:v2+s3+$0x0], $0xffff  }
0x1da: {  	v59 =	vunpack.i.u.bf16.f32 v27;
	v29 =	vmul.f32 v31, v29;
	v25 =	vmul.f32 v31, v25;
	v40 =	vld.idx.msk [tilespmem:v3+s3+$0x0], $0xffff  }
0x1db: {  	v41 =	vld.idx.msk [tilespmem:v9+s19+$0x0], $0xffff;
	v24 =	vadd.bf16 v24, v26;
	v60 =	vmul.bf16 v7, v20;
	v30 =	vmul.bf16 v30, v21  }
0x1dc: {  	v31 =	vmul.f32 v1, v6;
	v8 =	vmul.f32 v8, v6;
	v6 =	vpack.i.f32.bf16 v57, v55;
	v61 =	vld.idx.msk [tilespmem:v4+s3+$0x0], $0xffff  }
0x1dd: {  	v7 =	vpack.i.f32.bf16 v25, v29;
	v25 =	vld.idx.msk [tilespmem:v5+s3+$0x0], $0xffff;
	v29 =	vadd.bf16 v30, v60;
	v30 =	vmul.bf16 v53, v22  }
0x1de: {  	s18 =	simm.s32 $0x1B5D0;
	v28 =	vmul.bf16 v28, v11;
	v1 =	vpack.i.f32.bf16 v54, v52;
	v62 =	vmul.bf16 v56, v6  }
0x1df: {  	v38 =	vld [tilespmem:s18+$0xFFFFFFF0];
	v26 =	vadd.bf16 v30, v29;
	v29 =	vmul.bf16 v58, v18;
	v30 =	vmul.bf16 v40, v7  }
0x1e0: {  	v8 =	vpack.i.f32.bf16 v8, v31;
	v31 =	vmul.bf16 v41, v0;
	v24 =	vadd.bf16 v28, v24;
	v28 =	vld [tilespmem:s18+$0xFFFFFC00]  }
0x1e1: {  	v63 =	vmul.bf16 v61, v8;
	v26 =	vadd.bf16 v29, v26;
	v29 =	vld [tilespmem:s18+$0x400];
	v30 =	vadd.bf16 v30, v62  }
0x1e2: {  	v27 =	vunpack.i.l.bf16.f32 v27;
	v24 =	vadd.bf16 v31, v24;
	v31 =	vld [tilespmem:s18+$0x0];
	v25 =	vmul.bf16 v25, v1  }
0x1e3: {  	v36 =	vunpack.i.u.bf16.f32 v26;
	v37 =	vunpack.i.l.bf16.f32 v26;
	v30 =	vadd.bf16 v63, v30  }
0x1e4: {  	v26 =	vadd.f32 v27, v59;
	v27 =	vadd.f32 v37, v36  }
0x1e5: {  	v25 =	vadd.bf16 v25, v30  }
0x1e6: {  	v39 =	vunpack.i.u.bf16.f32 v24;
	[tilespmem:s13+$0x0] =	vst v27;
	v27 =	vmul.f32 $3.200000000e+01, v28;
	v28 =	vmul.f32 $3.200000000e+01, v29  }
0x1e7: {  	v29 =	vmul.f32 $3.200000000e+01, v31;
	v31 =	vmul.f32 $3.200000000e+01, v38;
	v16 =	vld.idx.msk [tilespmem:v16+s20+$0x0], $0xffff;
	v30 =	vunpack.i.u.bf16.f32 v25  }
0x1e8: {  	v25 =	vunpack.i.l.bf16.f32 v25;
	v15 =	vld.idx.msk [tilespmem:v15+s20+$0x0], $0xffff;
	v27 =	vmax.f32 v27, $0.0e+00;
	v28 =	vmax.f32 v28, $0.0e+00  }
0x1e9: {  	v13 =	vld.idx.msk [tilespmem:v13+s20+$0x0], $0xffff;
	v29 =	vmax.f32 v29, $0.0e+00;
	v31 =	vmax.f32 v31, $0.0e+00;
	v27 =	vmin.f32 v27, $3.200000000e+01  }
0x1ea: {  	v12 =	vld.idx.msk [tilespmem:v12+s20+$0x0], $0xffff;
	v28 =	vmin.f32 v28, $3.200000000e+01;
	v29 =	vmin.f32 v29, $3.200000000e+01;
	v40 =	vtrunc.f32 v27  }
0x1eb: {  	v31 =	vmin.f32 v31, $3.200000000e+01;
	v41 =	vtrunc.f32 v28;
	v42 =	vtrunc.f32 v29  }
0x1ec: {  	v25 =	vadd.f32 v25, v30;
	v46 =	vtrunc.f32 v31;
	v32 =	vcvt.f32.s32 v40  }
0x1ed: {  	v24 =	vunpack.i.l.bf16.f32 v24;
	v34 =	vcvt.f32.s32 v42;
	v33 =	vcvt.f32.s32 v41  }
0x1ee: {  	v24 =	vadd.f32 v24, v39;
	[tilespmem:s13+$0xFFFFFBF0] =	vst v25;
	v16 =	vmul.bf16 v16, v20;
	v15 =	vmul.bf16 v15, v21  }
0x1ef: {  	v63 =	vld.idx.msk [tilespmem:v3+s19+$0x0], $0xffff;
	v13 =	vmul.bf16 v13, v22;
	v12 =	vmul.bf16 v12, v18;
	vm12 =	vlt.s32 v34, $0x1F  }
0x1f0: {  	v21 =	vld [tilespmem:s18+$0xFFFFFBF0];
	vm11 =	vlt.s32 v32, $0x1F;
	vm2 =	vlt.s32 v33, $0x1F;
	v20 =	vnsel vm12, $0x1F, v34  }
0x1f1: {  	v15 =	vadd.bf16 v15, v16;
	v16 =	vnsel vm11, $0x1F, v32;
	v22 =	vnsel vm2, $0x1F, v33  }
0x1f2: {  	v18 =	vld [tilespmem:s18+$0x3F0];
	v33 =	vcvt.f32.s32 v46;
	v30 =	vmul.u32 $0x21, v20;
	v20 =	vcvt.s32.f32 v20  }
0x1f3: {  	v43 =	vmul.u32 $0x441, v22;
	v44 =	vcvt.s32.f32 v16;
	v13 =	vadd.bf16 v13, v15  }
0x1f4: {  	[tilespmem:s12+$0x400] =	vst v26;
	v26 =	vmul.bf16 v63, v7;
	v15 =	vadd.s32 v16, v30;
	v20 =	vsub.f32 v29, v20  }
0x1f5: {  	v21 =	vmul.f32 $3.200000000e+01, v21;
	v15 =	vadd.s32 v43, v15;
	v30 =	vadd.bf16 v12, v13  }
0x1f6: {  	v12 =	vcvt.s32.f32 v22;
	v22 =	vsub.f32 v27, v44;
	v16 =	vadd.s32 $0x21, v15  }
0x1f7: {  	v18 =	vmul.f32 $3.200000000e+01, v18;
	v45 =	vsub.f32 $1.000000000e+00, v20;
	v21 =	vmax.f32 v21, $0.0e+00  }
0x1f8: {  	v28 =	vsub.f32 v28, v12;
	v12 =	vadd.s32 $0x441, v15;
	v29 =	vsub.f32 $1.000000000e+00, v22  }
0x1f9: {  	v13 =	vadd.s32 $0x462, v15;
	v50 =	vmul.f32 v20, v22;
	v53 =	vmin.f32 v21, $3.200000000e+01  }
0x1fa: {  	v22 =	vmul.f32 v45, v22;
	v48 =	vsub.f32 $1.000000000e+00, v28;
	v49 =	vmul.f32 v45, v29;
	v47 =	vld.idx.msk [tilespmem:v15+s3+$0x0], $0xffff  }
0x1fb: {  	vm14 =	vlt.s32 v33, $0x1F;
	v55 =	vtrunc.f32 v53;
	v20 =	vmul.f32 v29, v20;
	v51 =	vld.idx.msk [tilespmem:v16+s3+$0x0], $0xffff  }
0x1fc: {  	v18 =	vmax.f32 v18, $0.0e+00;
	v29 =	vmul.f32 v49, v48;
	v52 =	vmul.f32 v48, v50  }
0x1fd: {  	v27 =	vunpack.i.u.bf16.f32 v30;
	v21 =	vmul.f32 v22, v48;
	v35 =	vmul.f32 v48, v20;
	v54 =	vld.idx.msk [tilespmem:v12+s3+$0x0], $0xffff  }
0x1fe: {  	v30 =	vunpack.i.l.bf16.f32 v30;
	v58 =	vcvt.f32.s32 v55;
	v43 =	vmul.f32 v22, v28  }
0x1ff: {  	v36 =	vmul.f32 v49, v28;
	v42 =	vld.idx.msk [tilespmem:v13+s3+$0x0], $0xffff;
	v21 =	vpack.i.f32.bf16 v21, v29;
	v22 =	vpack.i.f32.bf16 v52, v35  }
0x200: {  	v29 =	vmin.f32 v18, $3.200000000e+01;
	v18 =	vmul.bf16 v47, v21;
	v32 =	vmul.bf16 v51, v22  }
0x201: {  	v56 =	vmul.f32 v20, v28;
	v28 =	vmul.f32 v50, v28;
	v20 =	vpack.i.f32.bf16 v43, v36  }
0x202: {  	[tilespmem:s12+$0xFFFFFFF0] =	vst v24;
	vm13 =	vlt.s32 v58, $0x1F;
	v57 =	vmul.bf16 v54, v20;
	v32 =	vadd.bf16 v32, v18  }
0x203: {  	v35 =	vld.idx.msk [tilespmem:v23+s20+$0x0], $0xffff;
	v23 =	vnsel vm14, $0x1F, v33;
	v59 =	vtrunc.f32 v29;
	v18 =	vpack.i.f32.bf16 v28, v56  }
0x204: {  	v24 =	vcvt.f32.s32 v59;
	v60 =	vmul.bf16 v42, v18;
	v28 =	vadd.bf16 v57, v32  }
0x205: {  	v62 =	vld.idx.msk [tilespmem:v2+s19+$0x0], $0xffff;
	v61 =	vnsel vm13, $0x1F, v58;
	v33 =	vcvt.s32.f32 v23;
	v23 =	vmul.u32 $0x21, v23  }
0x206: {  	vm15 =	vlt.s32 v24, $0x1F;
	v25 =	vadd.bf16 v60, v28;
	v28 =	vcvt.s32.f32 v61  }
0x207: {  	v38 =	vld.idx.msk [tilespmem:v17+s20+$0x0], $0xffff;
	v27 =	vadd.f32 v30, v27;
	v23 =	vadd.s32 v61, v23;
	v17 =	vnsel vm15, $0x1F, v24  }
0x208: {  	v40 =	vld.idx.msk [tilespmem:v19+s20+$0x0], $0xffff;
	v24 =	vunpack.i.u.bf16.f32 v25;
	v28 =	vsub.f32 v53, v28;
	v19 =	vunpack.i.l.bf16.f32 v25  }
0x209: {  	v25 =	vsub.f32 v31, v33;
	v31 =	vcvt.s32.f32 v17;
	v19 =	vadd.f32 v19, v24  }
0x20a: {  	s14 =	simm.s32 $0x1CDD0;
	v54 =	vmul.bf16 v62, v6;
	v17 =	vmul.u32 $0x441, v17;
	v52 =	vsub.f32 $1.000000000e+00, v28  }
0x20b: {  	v58 =	vld.idx.msk [tilespmem:v5+s19+$0x0], $0xffff;
	v14 =	vmul.bf16 v35, v14;
	v29 =	vsub.f32 v29, v31;
	v31 =	vsub.f32 $1.000000000e+00, v25;
	[tilespmem:s14+$0xFFFFFC00] =	vst v19  }
0x20c: {  	v24 =	vadd.s32 v17, v23;
	v19 =	vmul.f32 v25, v28;
	v17 =	vmul.f32 v52, v25;
	v55 =	vld.idx.msk [tilespmem:v15+s19+$0x0], $0xffff  }
0x20d: {  	v56 =	vsub.f32 $1.000000000e+00, v29;
	v33 =	vmul.f32 v31, v52;
	v25 =	vadd.s32 $0x21, v24;
	v57 =	vld.idx.msk [tilespmem:v16+s19+$0x0], $0xffff  }
0x20e: {  	v53 =	vld.idx.msk [tilespmem:v4+s19+$0x0], $0xffff;
	v23 =	vadd.s32 $0x441, v24;
	v31 =	vmul.f32 v31, v28;
	v30 =	vmul.f32 v19, v29  }
0x20f: {  	v44 =	vld.idx.msk [tilespmem:v12+s19+$0x0], $0xffff;
	v28 =	vmul.f32 v17, v29;
	v39 =	vmul.f32 v56, v19;
	v19 =	vadd.s32 $0x462, v24  }
0x210: {  	v48 =	vld.idx.msk [tilespmem:v13+s19+$0x0], $0xffff;
	v59 =	vmul.f32 v33, v56;
	v45 =	vmul.f32 v31, v56  }
0x211: {  	v47 =	vld.idx.msk [tilespmem:v24+s3+$0x0], $0xffff;
	v28 =	vpack.i.f32.bf16 v30, v28;
	v30 =	vmul.f32 v33, v29;
	v29 =	vmul.f32 v31, v29  }
0x212: {  	v26 =	vadd.bf16 v26, v54;
	v60 =	vld.idx.msk [tilespmem:v25+s3+$0x0], $0xffff;
	v31 =	vmul.bf16 v55, v21;
	v61 =	vmul.bf16 v57, v22  }
0x213: {  	v62 =	vmul.bf16 v53, v8;
	v46 =	vmul.f32 v56, v17;
	v17 =	vpack.i.f32.bf16 v45, v59;
	v34 =	vld.idx.msk [tilespmem:v23+s3+$0x0], $0xffff  }
0x214: {  	v63 =	vmul.bf16 v44, v20;
	v32 =	vpack.i.f32.bf16 v29, v30;
	v29 =	vadd.bf16 v61, v31;
	v35 =	vld.idx.msk [tilespmem:v19+s3+$0x0], $0xffff  }
0x215: {  	s23 =	sor.u32 $0x400, s11;
	v33 =	vpack.i.f32.bf16 v39, v46;
	v37 =	vmul.bf16 v48, v18;
	v30 =	vmul.bf16 v58, v1  }
0x216: {  	s15 =	sor.u32 s10, s23;
	s4 =	simm.s32 $0x1B5F0;
	s16 =	sor.u32 s9, s23;
	v9 =	vld.idx.msk [tilespmem:v9+s20+$0x0], $0xffff;
	v31 =	vmul.bf16 v47, v17;
	v36 =	vadd.bf16 v63, v29;
	v29 =	vmul.bf16 v38, v10  }
0x217: {  	s17 =	sor.u32 s8, s23;
	s23 =	simm.s32 $0x4;
	s18 =	simm.s32 $0x1CDD0;
	[tilespmem:s13+$0x400] =	vst v27;
	v38 =	vadd.bf16 v62, v26;
	v26 =	vmul.bf16 v40, v11;
	v39 =	vmul.bf16 v60, v33  }
.LBB2_5:
0x218: {  	v27 =	vld [tilespmem:s4+$0xFFFFFC00];
	v34 =	vmul.bf16 v34, v32;
	v36 =	vadd.bf16 v37, v36;
	v14 =	vadd.bf16 v29, v14;
	v10 =	vmovc v33  }
0x219: {  	v33 =	vmul.bf16 v35, v28;
	v11 =	vmovc v8;
	v29 =	vld [tilespmem:s4+$0x400];
	v31 =	vadd.bf16 v39, v31;
	v30 =	vadd.bf16 v30, v38  }
0x21a: {  	v8 =	vmovc v32;
	v35 =	vld [tilespmem:s4+$0x0];
	v37 =	vunpack.i.u.bf16.f32 v36;
	v36 =	vunpack.i.l.bf16.f32 v36;
	v14 =	vadd.bf16 v26, v14  }
0x21b: {  	v26 =	vld [tilespmem:s4+$0xFFFFFFF0];
	v31 =	vadd.bf16 v34, v31;
	v32 =	vadd.f32 v36, v37;
	v34 =	vunpack.i.u.bf16.f32 v30  }
0x21c: {  	s23 =	sadd.s32 $0x2, s23;
	v9 =	vmul.bf16 v9, v0;
	v0 =	vmovc v1;
	v1 =	vmov v28;
	v30 =	vunpack.i.l.bf16.f32 v30;
	v36 =	vld [tilespmem:s4+$0xFFFFFBF0]  }
0x21d: {  	p0 =	slt.u32 s23, $0x3E;
	v30 =	vadd.f32 v30, v34;
	v28 =	vld [tilespmem:s4+$0x3F0];
	v31 =	vadd.bf16 v33, v31;
	[tilespmem:s14+$0x0] =	vst v32  }
0x21e: {  	v27 =	vmul.f32 $3.200000000e+01, v27;
	v32 =	vadd.bf16 v9, v14;
	v29 =	vmul.f32 $3.200000000e+01, v29;
	v15 =	vld.idx.msk [tilespmem:v15+s20+$0x0], $0xffff  }
0x21f: {  	v9 =	vmul.f32 $3.200000000e+01, v35;
	v33 =	vunpack.i.u.bf16.f32 v31;
	v31 =	vunpack.i.l.bf16.f32 v31;
	v16 =	vld.idx.msk [tilespmem:v16+s20+$0x0], $0xffff;
	[tilespmem:s13+$0xFFFFFFF0] =	vst v30  }
0x220: {  	v30 =	vmul.f32 $3.200000000e+01, v26;
	v26 =	vmax.f32 v27, $0.0e+00;
	v27 =	vmax.f32 v29, $0.0e+00;
	v14 =	vld.idx.msk [tilespmem:v2+s20+$0x0], $0xffff;
	v2 =	vmovc v24  }
0x221: {  	v34 =	vmin.f32 v26, $3.200000000e+01;
	v9 =	vmax.f32 v9, $0.0e+00;
	v35 =	vmin.f32 v27, $3.200000000e+01;
	v12 =	vld.idx.msk [tilespmem:v12+s20+$0x0], $0xffff  }
0x222: {  	v37 =	vmin.f32 v9, $3.200000000e+01;
	v9 =	vtrunc.f32 v34;
	v27 =	vtrunc.f32 v35;
	v26 =	vld.idx.msk [tilespmem:v3+s20+$0x0], $0xffff;
	v3 =	vmovc v25  }
0x223: {  	v24 =	vmax.f32 v30, $0.0e+00;
	v25 =	vcvt.f32.s32 v9;
	v9 =	vtrunc.f32 v37;
	v13 =	vld.idx.msk [tilespmem:v13+s20+$0x0], $0xffff  }
0x224: {  	v24 =	vmin.f32 v24, $3.200000000e+01;
	v30 =	vcvt.f32.s32 v27;
	v29 =	vcvt.f32.s32 v9;
	v27 =	vld.idx.msk [tilespmem:v4+s20+$0x0], $0xffff;
	v4 =	vmovc v23  }
0x225: {  	v15 =	vmul.bf16 v15, v21;
	v23 =	vadd.f32 v31, v33;
	v16 =	vmul.bf16 v16, v22;
	v9 =	vld.idx.msk [tilespmem:v5+s20+$0x0], $0xffff  }
0x226: {  	vm0 =	vlt.s32 v25, $0x1F;
	vm2 =	vlt.s32 v30, $0x1F;
	v5 =	vmovc v19;
	vm1 =	vlt.s32 v29, $0x1F  }
0x227: {  	v15 =	vadd.bf16 v16, v15;
	v12 =	vmul.bf16 v12, v20;
	v19 =	vnsel vm1, $0x1F, v29;
	[tilespmem:s14+$0xFFFFFBF0] =	vst v23  }
0x228: {  	v16 =	vnsel vm0, $0x1F, v25;
	v20 =	vnsel vm2, $0x1F, v30;
	v21 =	vmul.u32 $0x21, v19;
	v23 =	vld.idx.msk [tilespmem:v2+s19+$0x0], $0xffff  }
0x229: {  	v22 =	vmul.u32 $0x441, v20;
	v12 =	vadd.bf16 v12, v15;
	v13 =	vmul.bf16 v13, v18;
	v29 =	vld.idx.msk [tilespmem:v3+s19+$0x0], $0xffff  }
0x22a: {  	v25 =	vcvt.s32.f32 v16;
	v18 =	vmul.f32 $3.200000000e+01, v36;
	v15 =	vadd.s32 v16, v21;
	v30 =	vld.idx.msk [tilespmem:v4+s19+$0x0], $0xffff  }
0x22b: {  	v19 =	vcvt.s32.f32 v19;
	v12 =	vadd.bf16 v13, v12;
	v15 =	vadd.s32 v22, v15;
	v31 =	vld.idx.msk [tilespmem:v5+s19+$0x0], $0xffff  }
0x22c: {  	v21 =	vsub.f32 v34, v25;
	v13 =	vcvt.s32.f32 v20;
	v16 =	vadd.s32 $0x21, v15  }
0x22d: {  	v19 =	vsub.f32 v37, v19;
	v20 =	vunpack.i.u.bf16.f32 v12;
	v22 =	vunpack.i.l.bf16.f32 v12  }
0x22e: {  	v25 =	vsub.f32 v35, v13;
	v12 =	vadd.s32 $0x441, v15;
	v20 =	vadd.f32 v22, v20  }
0x22f: {  	v33 =	vsub.f32 $1.000000000e+00, v19;
	v22 =	vmul.f32 $3.200000000e+01, v28;
	v28 =	vsub.f32 $1.000000000e+00, v21  }
0x230: {  	v18 =	vmax.f32 v18, $0.0e+00;
	v34 =	vtrunc.f32 v24;
	v13 =	vadd.s32 $0x462, v15;
	v35 =	vld.idx.msk [tilespmem:v15+s3+$0x0], $0xffff;
	[tilespmem:s14+$0x400] =	vst v20  }
0x231: {  	v37 =	vmul.f32 v19, v21;
	v36 =	vmul.f32 v33, v28;
	v20 =	vsub.f32 $1.000000000e+00, v25;
	v38 =	vld.idx.msk [tilespmem:v16+s3+$0x0], $0xffff  }
0x232: {  	v39 =	vmin.f32 v18, $3.200000000e+01;
	v18 =	vmul.f32 v33, v21;
	v19 =	vmul.f32 v28, v19  }
0x233: {  	v21 =	vmax.f32 v22, $0.0e+00;
	v22 =	vmul.f32 v36, v20;
	v28 =	vmul.f32 v20, v37;
	v33 =	vld.idx.msk [tilespmem:v12+s3+$0x0], $0xffff  }
0x234: {  	v40 =	vmin.f32 v21, $3.200000000e+01;
	v21 =	vmul.f32 v18, v20;
	v20 =	vmul.f32 v20, v19  }
0x235: {  	v43 =	vunpack.i.u.bf16.f32 v32;
	v41 =	vtrunc.f32 v39;
	v36 =	vmul.f32 v36, v25;
	v42 =	vld.idx.msk [tilespmem:v13+s3+$0x0], $0xffff  }
0x236: {  	v18 =	vmul.f32 v18, v25;
	v21 =	vpack.i.f32.bf16 v21, v22;
	v22 =	vpack.i.f32.bf16 v28, v20  }
0x237: {  	v32 =	vunpack.i.l.bf16.f32 v32;
	v28 =	vmul.bf16 v35, v21;
	v35 =	vmul.bf16 v38, v22  }
0x238: {  	v19 =	vmul.f32 v19, v25;
	v25 =	vmul.f32 v37, v25;
	v20 =	vpack.i.f32.bf16 v18, v36  }
0x239: {  	v34 =	vcvt.f32.s32 v34;
	v28 =	vadd.bf16 v35, v28;
	v33 =	vmul.bf16 v33, v20  }
0x23a: {  	v36 =	vtrunc.f32 v40;
	v18 =	vpack.i.f32.bf16 v25, v19;
	v35 =	vcvt.f32.s32 v41  }
0x23b: {  	vm0 =	vlt.s32 v34, $0x1F;
	v19 =	vadd.bf16 v33, v28;
	v25 =	vmul.bf16 v42, v18  }
0x23c: {  	vm1 =	vlt.s32 v35, $0x1F;
	v28 =	vnsel vm0, $0x1F, v34;
	v33 =	vcvt.f32.s32 v36  }
0x23d: {  	v34 =	vnsel vm1, $0x1F, v35;
	v35 =	vcvt.s32.f32 v28;
	v19 =	vadd.bf16 v25, v19  }
0x23e: {  	v28 =	vmul.u32 $0x21, v28;
	vm0 =	vlt.s32 v33, $0x1F;
	v25 =	vcvt.s32.f32 v34  }
0x23f: {  	v33 =	vnsel vm0, $0x1F, v33;
	v36 =	vunpack.i.u.bf16.f32 v19;
	v19 =	vunpack.i.l.bf16.f32 v19  }
0x240: {  	v37 =	vsub.f32 v39, v25;
	v25 =	vmul.u32 $0x441, v33;
	v19 =	vadd.f32 v19, v36  }
0x241: {  	s14 =	sadd.s32 $0x20, s14;
	v35 =	vsub.f32 v24, v35;
	v24 =	vadd.s32 v34, v28;
	v33 =	vcvt.s32.f32 v33  }
0x242: {  	v36 =	vmul.bf16 v23, v17;
	v24 =	vadd.s32 v25, v24;
	v28 =	vsub.f32 $1.000000000e+00, v37;
	[tilespmem:s14+$0xFFFFFC00] =	vst v19  }
0x243: {  	v33 =	vsub.f32 v40, v33;
	v25 =	vadd.s32 $0x21, v24;
	v19 =	vsub.f32 $1.000000000e+00, v35;
	v38 =	vld.idx.msk [tilespmem:v15+s19+$0x0], $0xffff  }
0x244: {  	v23 =	vadd.s32 $0x441, v24;
	v34 =	vmul.f32 v28, v35;
	v35 =	vmul.f32 v35, v37;
	v39 =	vld.idx.msk [tilespmem:v16+s19+$0x0], $0xffff  }
0x245: {  	v40 =	vsub.f32 $1.000000000e+00, v33;
	v41 =	vmul.f32 v19, v28;
	v37 =	vmul.f32 v19, v37  }
0x246: {  	v19 =	vadd.s32 $0x462, v24;
	v28 =	vmul.f32 v34, v33;
	v42 =	vmul.f32 v35, v33;
	v44 =	vld.idx.msk [tilespmem:v12+s19+$0x0], $0xffff  }
0x247: {  	v43 =	vadd.f32 v32, v43;
	v45 =	vmul.f32 v41, v40;
	v46 =	vmul.f32 v37, v40;
	v47 =	vld.idx.msk [tilespmem:v24+s3+$0x0], $0xffff  }
0x248: {  	v32 =	vmul.f32 v40, v34;
	v34 =	vmul.f32 v40, v35;
	v28 =	vpack.i.f32.bf16 v42, v28;
	v40 =	vld.idx.msk [tilespmem:v13+s19+$0x0], $0xffff  }
0x249: {  	v35 =	vmul.f32 v41, v33;
	v37 =	vmul.f32 v37, v33;
	v41 =	vpack.i.f32.bf16 v46, v45;
	v42 =	vld.idx.msk [tilespmem:v25+s3+$0x0], $0xffff  }
0x24a: {  	v33 =	vpack.i.f32.bf16 v34, v32;
	v38 =	vmul.bf16 v38, v21;
	v39 =	vmul.bf16 v39, v22;
	v34 =	vld.idx.msk [tilespmem:v23+s3+$0x0], $0xffff  }
.Ltmp3:
0x24b: {  	v29 =	vmul.bf16 v29, v10;
	v32 =	vpack.i.f32.bf16 v37, v35;
	v45 =	vmul.bf16 v30, v8;
	v35 =	vld.idx.msk [tilespmem:v19+s3+$0x0], $0xffff;
	(pc) =	sbr.rel @p0 .LBB2_5-.Ltmp3, $4  }
0x24c: {  	v30 =	vmul.bf16 v31, v1;
	v37 =	vadd.bf16 v39, v38;
	v38 =	vmul.bf16 v44, v20;
	[tilespmem:s12+$0x3F0] =	vst v43;
	s12 =	smov.u32 s13;
	s13 =	smov.u32 s18;
	s18 =	smov.u32 s14  }
0x24d: {  	v14 =	vmul.bf16 v14, v6;
	v6 =	vmovc v17;
	v31 =	vmul.bf16 v47, v41;
	v43 =	vadd.bf16 v29, v36  }
0x24e: {  	v17 =	vmovc v41;
	v29 =	vmul.bf16 v26, v7;
	v36 =	vadd.bf16 v38, v37;
	v37 =	vmul.bf16 v40, v18  }
0x24f: {  	s4 =	sadd.s32 $0x20, s4;
	v26 =	vmul.bf16 v27, v11;
	v7 =	vmovc v10;
	v39 =	vmul.bf16 v42, v33;
	v38 =	vadd.bf16 v45, v43  }
0x250: {  	_ = 	snop  }
0x251: {  	v10 =	vmul.bf16 v34, v32;
	v11 =	vadd.bf16 v39, v31;
	_ =	sdelay $0x1  }
0x252: {  	v27 =	vmul.bf16 v35, v28;
	v10 =	vadd.bf16 v10, v11;
	_ =	sdelay $0x1  }
0x253: {  	v10 =	vadd.bf16 v27, v10;
	_ =	sdelay $0x1  }
0x254: {  	v61 =	vunpack.i.u.bf16.f32 v10;
	v10 =	vunpack.i.l.bf16.f32 v10  }
0x255: {  	v10 =	vadd.f32 v10, v61;
	_ =	sdelay $0x1  }
0x256: {  	[tilespmem:s14+$0xFFFFFBF0] =	vst v10  }
0x257: {  	v10 =	vld.idx.msk [tilespmem:v24+s19+$0x0], $0xffff  }
0x258: {  	v62 =	vld.idx.msk [tilespmem:v25+s19+$0x0], $0xffff;
	_ =	sdelay $0x1  }
0x259: {  	v63 =	vld.idx.msk [tilespmem:v23+s19+$0x0], $0xffff;
	_ =	sdelay $0x1  }
0x25a: {  	v37 =	vadd.bf16 v37, v36;
	v39 =	vld.idx.msk [tilespmem:v19+s19+$0x0], $0xffff  }
0x25b: {  	v10 =	vmul.bf16 v10, v17;
	v11 =	vmul.bf16 v62, v33  }
0x25c: {  	v40 =	vunpack.i.u.bf16.f32 v37  }
0x25d: {  	v31 =	vunpack.i.l.bf16.f32 v37;
	v27 =	vmul.bf16 v63, v32;
	v10 =	vadd.bf16 v11, v10  }
0x25e: {  	v41 =	vadd.f32 v31, v40  }
0x25f: {  	v30 =	vadd.bf16 v30, v38;
	v34 =	vmul.bf16 v39, v28;
	v10 =	vadd.bf16 v27, v10  }
0x260: {  	[tilespmem:s14+$0x0] =	vst v41  }
0x261: {  	v42 =	vunpack.i.u.bf16.f32 v30;
	v30 =	vunpack.i.l.bf16.f32 v30;
	v15 =	vld.idx.msk [tilespmem:v15+s20+$0x0], $0xffff;
	v10 =	vadd.bf16 v34, v10  }
0x262: {  	v43 =	vadd.f32 v30, v42;
	v16 =	vld.idx.msk [tilespmem:v16+s20+$0x0], $0xffff  }
0x263: {  	v12 =	vld.idx.msk [tilespmem:v12+s20+$0x0], $0xffff;
	v44 =	vunpack.i.u.bf16.f32 v10;
	v10 =	vunpack.i.l.bf16.f32 v10  }
0x264: {  	[tilespmem:s13+$0xFFFFFFF0] =	vst v43;
	v45 =	vld.idx.msk [tilespmem:v13+s20+$0x0], $0xffff;
	v10 =	vadd.f32 v10, v44  }
0x265: {  	v2 =	vld.idx.msk [tilespmem:v2+s20+$0x0], $0xffff  }
0x266: {  	v14 =	vadd.bf16 v29, v14;
	v3 =	vld.idx.msk [tilespmem:v3+s20+$0x0], $0xffff;
	[tilespmem:s18+$0xFFFFFFF0] =	vst v10  }
0x267: {  	v10 =	vld.idx.msk [tilespmem:v24+s20+$0x0], $0xffff  }
0x268: {  	v0 =	vmul.bf16 v9, v0;
	v53 =	vadd.bf16 v26, v14;
	v48 =	vld.idx.msk [tilespmem:v25+s20+$0x0], $0xffff  }
0x269: {  	v4 =	vld.idx.msk [tilespmem:v4+s20+$0x0], $0xffff  }
0x26a: {  	v0 =	vadd.bf16 v0, v53;
	v46 =	vmul.bf16 v15, v21;
	v49 =	vld.idx.msk [tilespmem:v23+s20+$0x0], $0xffff  }
0x26b: {  	v5 =	vld.idx.msk [tilespmem:v5+s20+$0x0], $0xffff;
	v47 =	vmul.bf16 v16, v22;
	v12 =	vmul.bf16 v12, v20  }
0x26c: {  	v60 =	vunpack.i.u.bf16.f32 v0;
	v2 =	vmul.bf16 v2, v6;
	v3 =	vmul.bf16 v3, v7;
	v52 =	vld.idx.msk [tilespmem:v19+s20+$0x0], $0xffff  }
0x26d: {  	v13 =	vadd.bf16 v47, v46;
	v10 =	vmul.bf16 v10, v17;
	v54 =	vmul.bf16 v48, v33  }
0x26e: {  	v50 =	vmul.bf16 v45, v18;
	v4 =	vmul.bf16 v4, v8;
	v2 =	vadd.bf16 v3, v2  }
0x26f: {  	v51 =	vadd.bf16 v12, v13;
	v55 =	vmul.bf16 v49, v32;
	v56 =	vadd.bf16 v54, v10  }
0x270: {  	v0 =	vunpack.i.l.bf16.f32 v0;
	v1 =	vmul.bf16 v5, v1;
	v2 =	vadd.bf16 v4, v2  }
0x271: {  	v9 =	vadd.bf16 v50, v51;
	v59 =	vmul.bf16 v52, v28;
	v3 =	vadd.bf16 v55, v56  }
0x272: {  	v0 =	vadd.f32 v0, v60;
	v1 =	vadd.bf16 v1, v2  }
0x273: {  	v57 =	vunpack.i.u.bf16.f32 v9;
	v58 =	vunpack.i.l.bf16.f32 v9;
	v3 =	vadd.bf16 v59, v3  }
0x274: {  	v4 =	vadd.f32 v58, v57;
	v61 =	vunpack.i.u.bf16.f32 v1;
	v1 =	vunpack.i.l.bf16.f32 v1  }
0x275: {  	[tilespmem:s12+$0x3F0] =	vst v0;
	v1 =	vadd.f32 v1, v61;
	v62 =	vunpack.i.u.bf16.f32 v3;
	v3 =	vunpack.i.l.bf16.f32 v3  }
0x276: {  	[tilespmem:s14+$0x400] =	vst v4;
	v63 =	vadd.f32 v3, v62  }
0x277: {  	s4 =	sshrl.u32 s17, $0x3;
	[tilespmem:s13+$0x3F0] =	vst v1  }
0x278: {  	s4 =	sadd.s32 s5, s4;
	[tilespmem:s18+$0x3F0] =	vst v63  }
0x279: {  	[hbm4b:s4+s3] =	stream.linear.scatter [tilespmem:s2], [sflag:$0x4], $0x400, $0x38;
	[tilespmem:$0x1D580] =	vst v63  }
.Ltmp4:
0x27a: {  	s18 =	sshrl.u32 s16, $0x3;
	(pc) =	sbr.rel @p1 .LBB2_8-.Ltmp4, $4  }
0x27b: {  	s23 =	sshrl.u32 s15, $0x3;
	s4 =	sadd.s32 s5, s18  }
0x27c: {  	[hbm4b:s4+s3] =	stream.linear.scatter [tilespmem:s21], [sflag:$0x4], $0x400, $0x38;
	[tilespmem:$0x1D580] =	vst v63  }
0x27d: {  	s4 =	sadd.s32 s5, s23  }
0x27e: {  	[hbm4b:s4+s3] =	stream.linear.scatter [tilespmem:s22], [sflag:$0x4], $0x400, $0x38;
	[tilespmem:$0x1D580] =	vst v63  }
0x27f: {  	s4 =	sadd.s32 $0xC00, s11  }
0x280: {  	s11 =	sadd.s32 s8, s4  }
0x281: {  	s11 =	sshrl.u32 s11, $0x3  }
0x282: {  	s12 =	sadd.s32 s9, s4;
	s11 =	sadd.s32 s1, s11  }
0x283: {  	[tilespmem:s24], [sflag:$0x2] =	stream.linear.gather [hbm4b:s11+s3], $0x400, $0x38;
	[tilespmem:$0x1D580] =	vst v63  }
.Ltmp5:
0x284: {  	s4 =	sadd.s32 s10, s4;
	s23 =	sshrl.u32 s12, $0x3;
	(pc) =	sbr.rel .LBB2_2-.Ltmp5, $4  }
0x285: {  	s4 =	sshrl.u32 s4, $0x3;
	s11 =	sadd.s32 s1, s23  }
0x286: {  	[tilespmem:s25], [sflag:$0x2] =	stream.linear.gather [hbm4b:s11+s3], $0x400, $0x38;
	[tilespmem:$0x1D580] =	vst v63  }
0x287: {  	s7 =	sadd.s32 $0x1, s7;
	s4 =	sadd.s32 s1, s4  }
0x288: {  	[tilespmem:s26], [sflag:$0x2] =	stream.linear.gather [hbm4b:s4+s3], $0x400, $0x38;
	[tilespmem:$0x1D580] =	vst v63  }
.LBB2_9:
0x289: {  	_ =	sfence.sel $0x180000  }
0x28a: {  	[bflag:$0x0] =	sbarrier.arrive $0xFFFF  }
0x28b: {  	_ =	strace $0x90000047  }
0x28c: {  	s0 =	stileid.u32;
	[bflag:$0x2] =	sbarrier.arrive $0xFFFF  }
0x28d: {  	p0 =	sne.s32 s0, $0x0;
	s0 =	rddreg [dreg:$0x2]  }
0x28e: {  	s0 =	sadd.s32 @!p0 $0x100000, s0  }
0x28f: {  	[sflag:s0] =	ssyncadd.tile.s32 @!p0 $0x1;
	_ =	shalt  }
.Lfunc_end2:
_tile_overlayer_lowered:
.L_overlay_start_2:
0x290: {  	(tag) =	ssettag $0x2  }
0x291: {  	s0 =	rddreg [dreg:$0x0];
	s2 =	stileid.u32  }
0x292: {  	s1 =	rddreg [dreg:$0x1];
	p0 =	sne.s32 s2, $0x0  }
0x293: {  	s3 =	rddreg [dreg:$0x2];
	[bflag:$0x3] =	sbarrier.arrive $0xFFFF;
	s2 =	simm.s32 @!p0 $0x1C05  }
0x294: {  	[timem:s3], [sflag:s2] =	dma.local @!p0 [hbm:s0], s1  }
0x295: {  	s0 =	simm.s32 @!p0 $0x5  }
0x296: {  	_ =	swait.ge @!p0 [sflag:s0], s1  }
0x297: {  	s1 =	ssub.s32 @!p0 $0x0, s1;
	[sflag:s0] =	ssyncset.done @!p0 $0x0  }
0x298: {  	[sflag:s0] =	ssyncadd.s32 @!p0 s1  }
0x299: {  	[bflag:$0x3] =	sbarrier.arrive $0xFFFF  }
0x29a: {  	_ =	shalt  }

</sc_bundles>
